<compile_context>
chip_gen: v7x
topology: tpu7x:2x2x1
jax: 0.10.2.dev20260603
libtpu: 0.0.44.dev20260713+nightly
codegen_flags: <defaults>
</compile_context>

<pallas_src>
import functools

import jax
import jax.numpy as jnp
from jax import lax
from jax.experimental import pallas as pl
from jax.experimental.pallas import tpu as pltpu
from jax.experimental.pallas import tpu_sc as plsc

NUM_EMB = 1000001
D = 64
B = 4096
L = 200
HALF = 100
NW = 32
BAGS_PER_W = B // NW

CHUNK = 2048
NBLK = 489
VPAD = NBLK * CHUNK
PACK_ROWS = VPAD // 2


def _repack_tc(table_t):

    def body(x_ref, o_ref):
        t = jnp.transpose(x_ref[...], (1, 0))
        o_ref[...] = jnp.concatenate(
            [t[: CHUNK // 2], t[CHUNK // 2:]], axis=1)

    return pl.pallas_call(
        body,
        grid=(NBLK,),
        in_specs=[pl.BlockSpec((D, CHUNK), lambda g: (0, g))],
        out_specs=pl.BlockSpec((CHUNK // 2, 2 * D), lambda g: (g, 0)),
        out_shape=jax.ShapeDtypeStruct((PACK_ROWS, 2 * D), jnp.float32),
    )(table_t)


def _bow_sc(table, ids2):
    mesh = plsc.VectorSubcoreMesh(core_axis_name="c", subcore_axis_name="s")

    @functools.partial(
        pl.kernel,
        mesh=mesh,
        out_type=jax.ShapeDtypeStruct((B, D), jnp.float32),
        compiler_params=pltpu.CompilerParams(use_tc_tiling_on_sc=False),
        scratch_types=[
            pltpu.VMEM((2 * BAGS_PER_W, HALF), jnp.int32),
            pltpu.VMEM((L, D), jnp.float32),
            pltpu.VMEM((L, D), jnp.float32),
            pltpu.VMEM((BAGS_PER_W, D), jnp.float32),
            pltpu.SemaphoreType.DMA,
            pltpu.SemaphoreType.DMA,
        ],
    )
    def k(table_hbm, ids_hbm, out_hbm, idx_v, rows0, rows1, out_v, sem0, sem1):
        wid = lax.axis_index("s") * 2 + lax.axis_index("c")
        base = wid * BAGS_PER_W

        pltpu.sync_copy(ids_hbm.at[pl.ds(2 * base, 2 * BAGS_PER_W)], idx_v)

        def start_gather(b, rows_v, sem):
            pltpu.async_copy(
                table_hbm.at[idx_v.at[2 * b]], rows_v.at[pl.ds(0, HALF)], sem)
            pltpu.async_copy(
                table_hbm.at[idx_v.at[2 * b + 1]],
                rows_v.at[pl.ds(HALF, HALF)], sem)

        def wait_gather(b, rows_v, sem):
            pltpu.make_async_copy(
                table_hbm.at[idx_v.at[2 * b]], rows_v.at[pl.ds(0, HALF)],
                sem).wait()
            pltpu.make_async_copy(
                table_hbm.at[idx_v.at[2 * b + 1]],
                rows_v.at[pl.ds(HALF, HALF)], sem).wait()

        def accumulate(b, rows_v):
            def racc(r, acc):
                out = []
                for j in range(4):
                    a = acc[j]
                    for u in range(4):
                        a = a + rows_v[4 * r + u, pl.ds(16 * j, 16)]
                    out.append(a)
                return tuple(out)

            acc = lax.fori_loop(
                0, L // 4, racc,
                tuple(jnp.zeros((16,), jnp.float32) for _ in range(4)))
            for j in range(4):
                out_v[b, pl.ds(16 * j, 16)] = acc[j]

        start_gather(0, rows0, sem0)

        def pair_body(p, carry):
            b0 = 2 * p
            start_gather(b0 + 1, rows1, sem1)
            wait_gather(b0, rows0, sem0)
            accumulate(b0, rows0)

            @pl.when(p < BAGS_PER_W // 2 - 1)
            def _():
                start_gather(b0 + 2, rows0, sem0)

            wait_gather(b0 + 1, rows1, sem1)
            accumulate(b0 + 1, rows1)
            return carry

        lax.fori_loop(0, BAGS_PER_W // 2, pair_body, 0)
        pltpu.sync_copy(out_v, out_hbm.at[pl.ds(base, BAGS_PER_W)])

    return k(table, ids2)


def kernel(input_ids, table):
    packed = _repack_tc(table.T)
    table_lin = packed.reshape(VPAD, D)
    i = input_ids.astype(jnp.int32)
    c = i & (CHUNK - 1)
    r = (i & ~(CHUNK - 1)) | ((c & (CHUNK // 2 - 1)) << 1) | (c >> 10)
    ids2 = r.reshape(2 * B, HALF)
    return _bow_sc(table_lin, ids2)

# --- scband reference (transcript-rebuilt; emitter-appended) ---
"""Pipeline reference for scband-bow-69947837383154 (READ-ONLY COPY).

The authoritative reference and input builder live on the scoring server;
editing this copy changes nothing except your own understanding.
"""

import jax, jax.numpy as jnp
import numpy as np

NUM_EMBEDDINGS = 1000001  # len(vocab) + 1
EMBED_DIM = 64            # 'vocab_size' ctor arg = embedding output dim
BATCH = 4096
SEQ = 200


def setup_inputs(seed: int = 0) -> dict:
    key = jax.random.key(seed)
    k_idx, k_tab = jax.random.split(key)
    input_ids = jax.random.randint(k_idx, (BATCH, SEQ), 0, NUM_EMBEDDINGS, dtype=jnp.int64 if jax.config.read('jax_enable_x64') else jnp.int32)
    # Embedding weight table. The original fills it with sparse one-hot rows for
    # the top-k words; values are learned params, so we materialize a generic
    # float32 table of the same shape (same math: gather + sum).
    table = jax.random.normal(k_tab, (NUM_EMBEDDINGS, EMBED_DIM), dtype=jnp.float32) * 0.02
    return {"input_ids": input_ids, "table": table}


def reference(input_ids, table):
    # embeddings = self.embedding(input_ids)
    embeddings = jnp.take(table, input_ids, axis=0)  # [B, L, D]
    # bow_features = embeddings.sum(dim=1)
    bow_features = embeddings.sum(axis=1)            # [B, D]
    return bow_features

if __name__ == "__main__":
    import jax
    _d = setup_inputs()
    print(jax.jit(kernel)(*tuple(_d.values())))

</pallas_src>

<mosaic_0001>
#map = affine_map<(d0, d1) -> (0, 0)>
module attributes {stable_mosaic.version = 14 : i64} {
  func.func @k(%arg0: i32, %arg1: i32, %arg2: memref<1001472x64xf32, #tpu.memory_space<hbm>>, %arg3: memref<8192x100xi32, #tpu.memory_space<hbm>>, %arg4: memref<4096x64xf32, #tpu.memory_space<hbm>>, %arg5: memref<256x100xi32, #tpu.memory_space<vmem>>, %arg6: memref<200x64xf32, #tpu.memory_space<vmem>>, %arg7: memref<200x64xf32, #tpu.memory_space<vmem>>, %arg8: memref<128x64xf32, #tpu.memory_space<vmem>>, %arg9: memref<!tpu.dma_semaphore, #tpu.memory_space<semaphore_mem>>, %arg10: memref<!tpu.dma_semaphore, #tpu.memory_space<semaphore_mem>>) attributes {dimension_semantics = [#tpu.dimension_semantics<core_parallel>, #tpu.dimension_semantics<subcore_parallel>], iteration_bounds = array<i64: 2, 16>, scalar_prefetch = 0 : i64, scratch_operands = 6 : i64, tpu.core_type = #tpu.core_type<sc_vector_subcore>, window_params = [{transform_indices = #map}, {transform_indices = #map}, {transform_indices = #map}]} {
    %mul3A = arith.constant 2 : i32
    %mul3A_0 = arith.muli %arg1, %mul3A : i32
    %add3A = arith.addi %mul3A_0, %arg0 : i32
    %mul3A_1 = arith.constant 128 : i32
    %mul3A_2 = arith.muli %add3A, %mul3A_1 : i32
    %mul3A_3 = arith.constant 2 : i32
    %mul3A_4 = arith.muli %mul3A_3, %mul3A_2 : i32
    "tpu.region"() ({
      %run_scoped3A = tpu.sem_alloc : memref<!tpu.dma_semaphore, #tpu.memory_space<semaphore_mem>>
      %dma_start3A_29 = arith.constant 0 : i32
      %dma_start3A_30 = tpu.memref_slice %arg3[%mul3A_4, %dma_start3A_29] : memref<8192x100xi32, #tpu.memory_space<hbm>> -> memref<256x100xi32, #tpu.memory_space<hbm>>
      %dma_start3A_31 = arith.constant 0 : i32
      %dma_start3A_32 = tpu.memref_slice %arg3[%mul3A_4, %dma_start3A_31] : memref<8192x100xi32, #tpu.memory_space<hbm>> -> memref<256x100xi32, #tpu.memory_space<hbm>>
      tpu.enqueue_dma source(%dma_start3A_32 : memref<256x100xi32, #tpu.memory_space<hbm>>) target(%arg5 : memref<256x100xi32, #tpu.memory_space<vmem>>) target_semaphore(%run_scoped3A : memref<!tpu.dma_semaphore, #tpu.memory_space<semaphore_mem>>)
      %dma_wait3A = arith.constant 0 : i32
      %dma_wait3A_33 = tpu.memref_slice %arg3[%mul3A_4, %dma_wait3A] : memref<8192x100xi32, #tpu.memory_space<hbm>> -> memref<256x100xi32, #tpu.memory_space<hbm>>
      %dma_wait3A_34 = arith.constant 0 : i32
      %dma_wait3A_35 = tpu.memref_slice %arg3[%mul3A_4, %dma_wait3A_34] : memref<8192x100xi32, #tpu.memory_space<hbm>> -> memref<256x100xi32, #tpu.memory_space<hbm>>
      tpu.wait_dma2 semaphore(%run_scoped3A : memref<!tpu.dma_semaphore, #tpu.memory_space<semaphore_mem>>) src(%dma_wait3A_35 : memref<256x100xi32, #tpu.memory_space<hbm>>) dst(%arg5 : memref<256x100xi32, #tpu.memory_space<vmem>>)
      tpu.yield
    }) : () -> ()
    %dma_start3A = arith.constant 0 : i32
    %dma_start3A_5 = arith.constant 0 : i32
    %dma_start3A_6 = arith.constant 0 : i32
    %dma_start3A_7 = tpu.memref_slice %arg6[%dma_start3A_5, %dma_start3A_6] : memref<200x64xf32, #tpu.memory_space<vmem>> -> memref<100x64xf32, #tpu.memory_space<vmem>>
    %dma_start3A_8 = arith.constant 0 : i32
    %dma_start3A_9 = tpu.memref_slice %arg5[%dma_start3A, %dma_start3A_8] : memref<256x100xi32, #tpu.memory_space<vmem>> -> memref<1x100xi32, #tpu.memory_space<vmem>>
    %dma_start3A_10 = tpu.memref_squeeze %dma_start3A_9 : memref<1x100xi32, #tpu.memory_space<vmem>> -> memref<100xi32, #tpu.memory_space<vmem>>
    %dma_start3A_11 = arith.constant 0 : i32
    %dma_start3A_12 = arith.constant 0 : i32
    %dma_start3A_13 = tpu.memref_slice %arg2[%dma_start3A_11, %dma_start3A_12] : memref<1001472x64xf32, #tpu.memory_space<hbm>> -> memref<1001472x64xf32, #tpu.memory_space<hbm>>
    tpu.enqueue_indirect_dma source(%dma_start3A_13 : memref<1001472x64xf32, #tpu.memory_space<hbm>>) target(%dma_start3A_7 : memref<100x64xf32, #tpu.memory_space<vmem>>) offsets(%dma_start3A_10 : memref<100xi32, #tpu.memory_space<vmem>>) semaphore(%arg9 : memref<!tpu.dma_semaphore, #tpu.memory_space<semaphore_mem>>)
    %dma_start3A_14 = arith.constant 1 : i32
    %dma_start3A_15 = arith.constant 100 : i32
    %dma_start3A_16 = arith.constant 0 : i32
    %dma_start3A_17 = tpu.memref_slice %arg6[%dma_start3A_15, %dma_start3A_16] : memref<200x64xf32, #tpu.memory_space<vmem>> -> memref<100x64xf32, #tpu.memory_space<vmem>>
    %dma_start3A_18 = arith.constant 0 : i32
    %dma_start3A_19 = tpu.memref_slice %arg5[%dma_start3A_14, %dma_start3A_18] : memref<256x100xi32, #tpu.memory_space<vmem>> -> memref<1x100xi32, #tpu.memory_space<vmem>>
    %dma_start3A_20 = tpu.memref_squeeze %dma_start3A_19 : memref<1x100xi32, #tpu.memory_space<vmem>> -> memref<100xi32, #tpu.memory_space<vmem>>
    %dma_start3A_21 = arith.constant 0 : i32
    %dma_start3A_22 = arith.constant 0 : i32
    %dma_start3A_23 = tpu.memref_slice %arg2[%dma_start3A_21, %dma_start3A_22] : memref<1001472x64xf32, #tpu.memory_space<hbm>> -> memref<1001472x64xf32, #tpu.memory_space<hbm>>
    tpu.enqueue_indirect_dma source(%dma_start3A_23 : memref<1001472x64xf32, #tpu.memory_space<hbm>>) target(%dma_start3A_17 : memref<100x64xf32, #tpu.memory_space<vmem>>) offsets(%dma_start3A_20 : memref<100xi32, #tpu.memory_space<vmem>>) semaphore(%arg9 : memref<!tpu.dma_semaphore, #tpu.memory_space<semaphore_mem>>)
    %scan3A = arith.constant 0 : i32
    %scan3A_24 = arith.constant 0 : i32
    %scan3A_25 = arith.constant 64 : i32
    %scan3A_26 = arith.addi %scan3A_24, %scan3A_25 : i32
    %scan3A_27 = arith.constant 1 : i32
    scf.for %scan3A_29 = %scan3A_24 to %scan3A_26 step %scan3A_27  : i32 {
      %mul3A_30 = arith.constant 2 : i32
      %mul3A_31 = arith.muli %mul3A_30, %scan3A_29 : i32
      %add3A_32 = arith.constant 1 : i32
      %add3A_33 = arith.addi %mul3A_31, %add3A_32 : i32
      %mul3A_34 = arith.constant 2 : i32
      %mul3A_35 = arith.muli %mul3A_34, %add3A_33 : i32
      %dma_start3A_36 = arith.constant 0 : i32
      %dma_start3A_37 = arith.constant 0 : i32
      %dma_start3A_38 = tpu.memref_slice %arg7[%dma_start3A_36, %dma_start3A_37] : memref<200x64xf32, #tpu.memory_space<vmem>> -> memref<100x64xf32, #tpu.memory_space<vmem>>
      %dma_start3A_39 = arith.constant 0 : i32
      %dma_start3A_40 = tpu.memref_slice %arg5[%mul3A_35, %dma_start3A_39] : memref<256x100xi32, #tpu.memory_space<vmem>> -> memref<1x100xi32, #tpu.memory_space<vmem>>
      %dma_start3A_41 = tpu.memref_squeeze %dma_start3A_40 : memref<1x100xi32, #tpu.memory_space<vmem>> -> memref<100xi32, #tpu.memory_space<vmem>>
      %dma_start3A_42 = arith.constant 0 : i32
      %dma_start3A_43 = arith.constant 0 : i32
      %dma_start3A_44 = tpu.memref_slice %arg2[%dma_start3A_42, %dma_start3A_43] : memref<1001472x64xf32, #tpu.memory_space<hbm>> -> memref<1001472x64xf32, #tpu.memory_space<hbm>>
      tpu.enqueue_indirect_dma source(%dma_start3A_44 : memref<1001472x64xf32, #tpu.memory_space<hbm>>) target(%dma_start3A_38 : memref<100x64xf32, #tpu.memory_space<vmem>>) offsets(%dma_start3A_41 : memref<100xi32, #tpu.memory_space<vmem>>) semaphore(%arg10 : memref<!tpu.dma_semaphore, #tpu.memory_space<semaphore_mem>>)
      %mul3A_45 = arith.constant 2 : i32
      %mul3A_46 = arith.muli %mul3A_45, %add3A_33 : i32
      %add3A_47 = arith.constant 1 : i32
      %add3A_48 = arith.addi %mul3A_46, %add3A_47 : i32
      %dma_start3A_49 = arith.constant 100 : i32
      %dma_start3A_50 = arith.constant 0 : i32
      %dma_start3A_51 = tpu.memref_slice %arg7[%dma_start3A_49, %dma_start3A_50] : memref<200x64xf32, #tpu.memory_space<vmem>> -> memref<100x64xf32, #tpu.memory_space<vmem>>
      %dma_start3A_52 = arith.constant 0 : i32
      %dma_start3A_53 = tpu.memref_slice %arg5[%add3A_48, %dma_start3A_52] : memref<256x100xi32, #tpu.memory_space<vmem>> -> memref<1x100xi32, #tpu.memory_space<vmem>>
      %dma_start3A_54 = tpu.memref_squeeze %dma_start3A_53 : memref<1x100xi32, #tpu.memory_space<vmem>> -> memref<100xi32, #tpu.memory_space<vmem>>
      %dma_start3A_55 = arith.constant 0 : i32
      %dma_start3A_56 = arith.constant 0 : i32
      %dma_start3A_57 = tpu.memref_slice %arg2[%dma_start3A_55, %dma_start3A_56] : memref<1001472x64xf32, #tpu.memory_space<hbm>> -> memref<1001472x64xf32, #tpu.memory_space<hbm>>
      tpu.enqueue_indirect_dma source(%dma_start3A_57 : memref<1001472x64xf32, #tpu.memory_space<hbm>>) target(%dma_start3A_51 : memref<100x64xf32, #tpu.memory_space<vmem>>) offsets(%dma_start3A_54 : memref<100xi32, #tpu.memory_space<vmem>>) semaphore(%arg10 : memref<!tpu.dma_semaphore, #tpu.memory_space<semaphore_mem>>)
      %mul3A_58 = arith.constant 2 : i32
      %mul3A_59 = arith.muli %mul3A_58, %mul3A_31 : i32
      %dma_wait3A = arith.constant 0 : i32
      %dma_wait3A_60 = arith.constant 0 : i32
      %dma_wait3A_61 = tpu.memref_slice %arg6[%dma_wait3A, %dma_wait3A_60] : memref<200x64xf32, #tpu.memory_space<vmem>> -> memref<100x64xf32, #tpu.memory_space<vmem>>
      %dma_wait3A_62 = arith.constant 0 : i32
      %dma_wait3A_63 = tpu.memref_slice %arg5[%mul3A_59, %dma_wait3A_62] : memref<256x100xi32, #tpu.memory_space<vmem>> -> memref<1x100xi32, #tpu.memory_space<vmem>>
      %dma_wait3A_64 = tpu.memref_squeeze %dma_wait3A_63 : memref<1x100xi32, #tpu.memory_space<vmem>> -> memref<100xi32, #tpu.memory_space<vmem>>
      %dma_wait3A_65 = arith.constant 0 : i32
      %dma_wait3A_66 = arith.constant 0 : i32
      %dma_wait3A_67 = tpu.memref_slice %arg2[%dma_wait3A_65, %dma_wait3A_66] : memref<1001472x64xf32, #tpu.memory_space<hbm>> -> memref<1001472x64xf32, #tpu.memory_space<hbm>>
      tpu.wait_indirect_dma semaphore(%arg9 : memref<!tpu.dma_semaphore, #tpu.memory_space<semaphore_mem>>) src(%dma_wait3A_67 : memref<1001472x64xf32, #tpu.memory_space<hbm>>) dst(%dma_wait3A_61 : memref<100x64xf32, #tpu.memory_space<vmem>>)
      %mul3A_68 = arith.constant 2 : i32
      %mul3A_69 = arith.muli %mul3A_68, %mul3A_31 : i32
      %add3A_70 = arith.constant 1 : i32
      %add3A_71 = arith.addi %mul3A_69, %add3A_70 : i32
      %dma_wait3A_72 = arith.constant 100 : i32
      %dma_wait3A_73 = arith.constant 0 : i32
      %dma_wait3A_74 = tpu.memref_slice %arg6[%dma_wait3A_72, %dma_wait3A_73] : memref<200x64xf32, #tpu.memory_space<vmem>> -> memref<100x64xf32, #tpu.memory_space<vmem>>
      %dma_wait3A_75 = arith.constant 0 : i32
      %dma_wait3A_76 = tpu.memref_slice %arg5[%add3A_71, %dma_wait3A_75] : memref<256x100xi32, #tpu.memory_space<vmem>> -> memref<1x100xi32, #tpu.memory_space<vmem>>
      %dma_wait3A_77 = tpu.memref_squeeze %dma_wait3A_76 : memref<1x100xi32, #tpu.memory_space<vmem>> -> memref<100xi32, #tpu.memory_space<vmem>>
      %dma_wait3A_78 = arith.constant 0 : i32
      %dma_wait3A_79 = arith.constant 0 : i32
      %dma_wait3A_80 = tpu.memref_slice %arg2[%dma_wait3A_78, %dma_wait3A_79] : memref<1001472x64xf32, #tpu.memory_space<hbm>> -> memref<1001472x64xf32, #tpu.memory_space<hbm>>
      tpu.wait_indirect_dma semaphore(%arg9 : memref<!tpu.dma_semaphore, #tpu.memory_space<semaphore_mem>>) src(%dma_wait3A_80 : memref<1001472x64xf32, #tpu.memory_space<hbm>>) dst(%dma_wait3A_74 : memref<100x64xf32, #tpu.memory_space<vmem>>)
      %broadcast_in_dim3A = arith.constant 0.000000e+00 : f32
      %broadcast_in_dim3A_81 = vector.broadcast %broadcast_in_dim3A : f32 to vector<16xf32>
      %broadcast_in_dim3A_82 = arith.constant 0.000000e+00 : f32
      %broadcast_in_dim3A_83 = vector.broadcast %broadcast_in_dim3A_82 : f32 to vector<16xf32>
      %broadcast_in_dim3A_84 = arith.constant 0.000000e+00 : f32
      %broadcast_in_dim3A_85 = vector.broadcast %broadcast_in_dim3A_84 : f32 to vector<16xf32>
      %broadcast_in_dim3A_86 = arith.constant 0.000000e+00 : f32
      %broadcast_in_dim3A_87 = vector.broadcast %broadcast_in_dim3A_86 : f32 to vector<16xf32>
      %scan3A_88 = arith.constant 0 : i32
      %scan3A_89 = arith.constant 50 : i32
      %scan3A_90 = arith.addi %scan3A_88, %scan3A_89 : i32
      %scan3A_91 = arith.constant 1 : i32
      %scan3A_92:4 = scf.for %scan3A_177 = %scan3A_88 to %scan3A_90 step %scan3A_91 iter_args(%scan3A_178 = %broadcast_in_dim3A_81, %scan3A_179 = %broadcast_in_dim3A_83, %scan3A_180 = %broadcast_in_dim3A_85, %scan3A_181 = %broadcast_in_dim3A_87) -> (vector<16xf32>, vector<16xf32>, vector<16xf32>, vector<16xf32>)  : i32 {
        %mul3A_182 = arith.constant 4 : i32
        %mul3A_183 = arith.muli %mul3A_182, %scan3A_177 : i32
        %add3A_184 = arith.constant 0 : i32
        %add3A_185 = arith.addi %mul3A_183, %add3A_184 : i32
        %get3A = arith.index_cast %add3A_185 : i32 to index
        %get3A_186 = arith.constant 0 : index
        %get3A_187 = tpu.vector_load %arg6[%get3A, %get3A_186] {strides = array<i32>} : memref<200x64xf32, #tpu.memory_space<vmem>>, vector<1x16xf32>,
        %get3A_188 = vector.shape_cast %get3A_187 : vector<1x16xf32> to vector<16xf32>
        %add3A_189 = arith.addf %scan3A_178, %get3A_188 : vector<16xf32>
        %mul3A_190 = arith.constant 4 : i32
        %mul3A_191 = arith.muli %mul3A_190, %scan3A_177 : i32
        %add3A_192 = arith.constant 1 : i32
        %add3A_193 = arith.addi %mul3A_191, %add3A_192 : i32
        %get3A_194 = arith.index_cast %add3A_193 : i32 to index
        %get3A_195 = arith.constant 0 : index
        %get3A_196 = tpu.vector_load %arg6[%get3A_194, %get3A_195] {strides = array<i32>} : memref<200x64xf32, #tpu.memory_space<vmem>>, vector<1x16xf32>,
        %get3A_197 = vector.shape_cast %get3A_196 : vector<1x16xf32> to vector<16xf32>
        %add3A_198 = arith.addf %add3A_189, %get3A_197 : vector<16xf32>
        %mul3A_199 = arith.constant 4 : i32
        %mul3A_200 = arith.muli %mul3A_199, %scan3A_177 : i32
        %add3A_201 = arith.constant 2 : i32
        %add3A_202 = arith.addi %mul3A_200, %add3A_201 : i32
        %get3A_203 = arith.index_cast %add3A_202 : i32 to index
        %get3A_204 = arith.constant 0 : index
        %get3A_205 = tpu.vector_load %arg6[%get3A_203, %get3A_204] {strides = array<i32>} : memref<200x64xf32, #tpu.memory_space<vmem>>, vector<1x16xf32>,
        %get3A_206 = vector.shape_cast %get3A_205 : vector<1x16xf32> to vector<16xf32>
        %add3A_207 = arith.addf %add3A_198, %get3A_206 : vector<16xf32>
        %mul3A_208 = arith.constant 4 : i32
        %mul3A_209 = arith.muli %mul3A_208, %scan3A_177 : i32
        %add3A_210 = arith.constant 3 : i32
        %add3A_211 = arith.addi %mul3A_209, %add3A_210 : i32
        %get3A_212 = arith.index_cast %add3A_211 : i32 to index
        %get3A_213 = arith.constant 0 : index
        %get3A_214 = tpu.vector_load %arg6[%get3A_212, %get3A_213] {strides = array<i32>} : memref<200x64xf32, #tpu.memory_space<vmem>>, vector<1x16xf32>,
        %get3A_215 = vector.shape_cast %get3A_214 : vector<1x16xf32> to vector<16xf32>
        %add3A_216 = arith.addf %add3A_207, %get3A_215 : vector<16xf32>
        %mul3A_217 = arith.constant 4 : i32
        %mul3A_218 = arith.muli %mul3A_217, %scan3A_177 : i32
        %add3A_219 = arith.constant 0 : i32
        %add3A_220 = arith.addi %mul3A_218, %add3A_219 : i32
        %get3A_221 = arith.index_cast %add3A_220 : i32 to index
        %get3A_222 = arith.constant 16 : index
        %get3A_223 = tpu.vector_load %arg6[%get3A_221, %get3A_222] {strides = array<i32>} : memref<200x64xf32, #tpu.memory_space<vmem>>, vector<1x16xf32>,
        %get3A_224 = vector.shape_cast %get3A_223 : vector<1x16xf32> to vector<16xf32>
        %add3A_225 = arith.addf %scan3A_179, %get3A_224 : vector<16xf32>
        %mul3A_226 = arith.constant 4 : i32
        %mul3A_227 = arith.muli %mul3A_226, %scan3A_177 : i32
        %add3A_228 = arith.constant 1 : i32
        %add3A_229 = arith.addi %mul3A_227, %add3A_228 : i32
        %get3A_230 = arith.index_cast %add3A_229 : i32 to index
        %get3A_231 = arith.constant 16 : index
        %get3A_232 = tpu.vector_load %arg6[%get3A_230, %get3A_231] {strides = array<i32>} : memref<200x64xf32, #tpu.memory_space<vmem>>, vector<1x16xf32>,
        %get3A_233 = vector.shape_cast %get3A_232 : vector<1x16xf32> to vector<16xf32>
        %add3A_234 = arith.addf %add3A_225, %get3A_233 : vector<16xf32>
        %mul3A_235 = arith.constant 4 : i32
        %mul3A_236 = arith.muli %mul3A_235, %scan3A_177 : i32
        %add3A_237 = arith.constant 2 : i32
        %add3A_238 = arith.addi %mul3A_236, %add3A_237 : i32
        %get3A_239 = arith.index_cast %add3A_238 : i32 to index
        %get3A_240 = arith.constant 16 : index
        %get3A_241 = tpu.vector_load %arg6[%get3A_239, %get3A_240] {strides = array<i32>} : memref<200x64xf32, #tpu.memory_space<vmem>>, vector<1x16xf32>,
        %get3A_242 = vector.shape_cast %get3A_241 : vector<1x16xf32> to vector<16xf32>
        %add3A_243 = arith.addf %add3A_234, %get3A_242 : vector<16xf32>
        %mul3A_244 = arith.constant 4 : i32
        %mul3A_245 = arith.muli %mul3A_244, %scan3A_177 : i32
        %add3A_246 = arith.constant 3 : i32
        %add3A_247 = arith.addi %mul3A_245, %add3A_246 : i32
        %get3A_248 = arith.index_cast %add3A_247 : i32 to index
        %get3A_249 = arith.constant 16 : index
        %get3A_250 = tpu.vector_load %arg6[%get3A_248, %get3A_249] {strides = array<i32>} : memref<200x64xf32, #tpu.memory_space<vmem>>, vector<1x16xf32>,
        %get3A_251 = vector.shape_cast %get3A_250 : vector<1x16xf32> to vector<16xf32>
        %add3A_252 = arith.addf %add3A_243, %get3A_251 : vector<16xf32>
        %mul3A_253 = arith.constant 4 : i32
        %mul3A_254 = arith.muli %mul3A_253, %scan3A_177 : i32
        %add3A_255 = arith.constant 0 : i32
        %add3A_256 = arith.addi %mul3A_254, %add3A_255 : i32
        %get3A_257 = arith.index_cast %add3A_256 : i32 to index
        %get3A_258 = arith.constant 32 : index
        %get3A_259 = tpu.vector_load %arg6[%get3A_257, %get3A_258] {strides = array<i32>} : memref<200x64xf32, #tpu.memory_space<vmem>>, vector<1x16xf32>,
        %get3A_260 = vector.shape_cast %get3A_259 : vector<1x16xf32> to vector<16xf32>
        %add3A_261 = arith.addf %scan3A_180, %get3A_260 : vector<16xf32>
        %mul3A_262 = arith.constant 4 : i32
        %mul3A_263 = arith.muli %mul3A_262, %scan3A_177 : i32
        %add3A_264 = arith.constant 1 : i32
        %add3A_265 = arith.addi %mul3A_263, %add3A_264 : i32
        %get3A_266 = arith.index_cast %add3A_265 : i32 to index
        %get3A_267 = arith.constant 32 : index
        %get3A_268 = tpu.vector_load %arg6[%get3A_266, %get3A_267] {strides = array<i32>} : memref<200x64xf32, #tpu.memory_space<vmem>>, vector<1x16xf32>,
        %get3A_269 = vector.shape_cast %get3A_268 : vector<1x16xf32> to vector<16xf32>
        %add3A_270 = arith.addf %add3A_261, %get3A_269 : vector<16xf32>
        %mul3A_271 = arith.constant 4 : i32
        %mul3A_272 = arith.muli %mul3A_271, %scan3A_177 : i32
        %add3A_273 = arith.constant 2 : i32
        %add3A_274 = arith.addi %mul3A_272, %add3A_273 : i32
        %get3A_275 = arith.index_cast %add3A_274 : i32 to index
        %get3A_276 = arith.constant 32 : index
        %get3A_277 = tpu.vector_load %arg6[%get3A_275, %get3A_276] {strides = array<i32>} : memref<200x64xf32, #tpu.memory_space<vmem>>, vector<1x16xf32>,
        %get3A_278 = vector.shape_cast %get3A_277 : vector<1x16xf32> to vector<16xf32>
        %add3A_279 = arith.addf %add3A_270, %get3A_278 : vector<16xf32>
        %mul3A_280 = arith.constant 4 : i32
        %mul3A_281 = arith.muli %mul3A_280, %scan3A_177 : i32
        %add3A_282 = arith.constant 3 : i32
        %add3A_283 = arith.addi %mul3A_281, %add3A_282 : i32
        %get3A_284 = arith.index_cast %add3A_283 : i32 to index
        %get3A_285 = arith.constant 32 : index
        %get3A_286 = tpu.vector_load %arg6[%get3A_284, %get3A_285] {strides = array<i32>} : memref<200x64xf32, #tpu.memory_space<vmem>>, vector<1x16xf32>,
        %get3A_287 = vector.shape_cast %get3A_286 : vector<1x16xf32> to vector<16xf32>
        %add3A_288 = arith.addf %add3A_279, %get3A_287 : vector<16xf32>
        %mul3A_289 = arith.constant 4 : i32
        %mul3A_290 = arith.muli %mul3A_289, %scan3A_177 : i32
        %add3A_291 = arith.constant 0 : i32
        %add3A_292 = arith.addi %mul3A_290, %add3A_291 : i32
        %get3A_293 = arith.index_cast %add3A_292 : i32 to index
        %get3A_294 = arith.constant 48 : index
        %get3A_295 = tpu.vector_load %arg6[%get3A_293, %get3A_294] {strides = array<i32>} : memref<200x64xf32, #tpu.memory_space<vmem>>, vector<1x16xf32>,
        %get3A_296 = vector.shape_cast %get3A_295 : vector<1x16xf32> to vector<16xf32>
        %add3A_297 = arith.addf %scan3A_181, %get3A_296 : vector<16xf32>
        %mul3A_298 = arith.constant 4 : i32
        %mul3A_299 = arith.muli %mul3A_298, %scan3A_177 : i32
        %add3A_300 = arith.constant 1 : i32
        %add3A_301 = arith.addi %mul3A_299, %add3A_300 : i32
        %get3A_302 = arith.index_cast %add3A_301 : i32 to index
        %get3A_303 = arith.constant 48 : index
        %get3A_304 = tpu.vector_load %arg6[%get3A_302, %get3A_303] {strides = array<i32>} : memref<200x64xf32, #tpu.memory_space<vmem>>, vector<1x16xf32>,
        %get3A_305 = vector.shape_cast %get3A_304 : vector<1x16xf32> to vector<16xf32>
        %add3A_306 = arith.addf %add3A_297, %get3A_305 : vector<16xf32>
        %mul3A_307 = arith.constant 4 : i32
        %mul3A_308 = arith.muli %mul3A_307, %scan3A_177 : i32
        %add3A_309 = arith.constant 2 : i32
        %add3A_310 = arith.addi %mul3A_308, %add3A_309 : i32
        %get3A_311 = arith.index_cast %add3A_310 : i32 to index
        %get3A_312 = arith.constant 48 : index
        %get3A_313 = tpu.vector_load %arg6[%get3A_311, %get3A_312] {strides = array<i32>} : memref<200x64xf32, #tpu.memory_space<vmem>>, vector<1x16xf32>,
        %get3A_314 = vector.shape_cast %get3A_313 : vector<1x16xf32> to vector<16xf32>
        %add3A_315 = arith.addf %add3A_306, %get3A_314 : vector<16xf32>
        %mul3A_316 = arith.constant 4 : i32
        %mul3A_317 = arith.muli %mul3A_316, %scan3A_177 : i32
        %add3A_318 = arith.constant 3 : i32
        %add3A_319 = arith.addi %mul3A_317, %add3A_318 : i32
        %get3A_320 = arith.index_cast %add3A_319 : i32 to index
        %get3A_321 = arith.constant 48 : index
        %get3A_322 = tpu.vector_load %arg6[%get3A_320, %get3A_321] {strides = array<i32>} : memref<200x64xf32, #tpu.memory_space<vmem>>, vector<1x16xf32>,
        %get3A_323 = vector.shape_cast %get3A_322 : vector<1x16xf32> to vector<16xf32>
        %add3A_324 = arith.addf %add3A_315, %get3A_323 : vector<16xf32>
        scf.yield %add3A_216, %add3A_252, %add3A_288, %add3A_324 : vector<16xf32>, vector<16xf32>, vector<16xf32>, vector<16xf32>
      }
      %scan3A_93 = arith.constant 50 : i32
      %swap3A = arith.index_cast %mul3A_31 : i32 to index
      %swap3A_94 = arith.constant 0 : index
      %swap3A_95 = tpu.vector_load %arg8[%swap3A, %swap3A_94] {strides = array<i32>} : memref<128x64xf32, #tpu.memory_space<vmem>>, vector<1x16xf32>,
      %swap3A_96 = vector.shape_cast %swap3A_95 : vector<1x16xf32> to vector<16xf32>
      %swap3A_97 = vector.shape_cast %scan3A_92#0 : vector<16xf32> to vector<1x16xf32>
      tpu.vector_store %arg8[%swap3A, %swap3A_94], %swap3A_97 {strides = array<i32>} : memref<128x64xf32, #tpu.memory_space<vmem>>, vector<1x16xf32>,
      %swap3A_98 = arith.index_cast %mul3A_31 : i32 to index
      %swap3A_99 = arith.constant 16 : index
      %swap3A_100 = tpu.vector_load %arg8[%swap3A_98, %swap3A_99] {strides = array<i32>} : memref<128x64xf32, #tpu.memory_space<vmem>>, vector<1x16xf32>,
      %swap3A_101 = vector.shape_cast %swap3A_100 : vector<1x16xf32> to vector<16xf32>
      %swap3A_102 = vector.shape_cast %scan3A_92#1 : vector<16xf32> to vector<1x16xf32>
      tpu.vector_store %arg8[%swap3A_98, %swap3A_99], %swap3A_102 {strides = array<i32>} : memref<128x64xf32, #tpu.memory_space<vmem>>, vector<1x16xf32>,
      %swap3A_103 = arith.index_cast %mul3A_31 : i32 to index
      %swap3A_104 = arith.constant 32 : index
      %swap3A_105 = tpu.vector_load %arg8[%swap3A_103, %swap3A_104] {strides = array<i32>} : memref<128x64xf32, #tpu.memory_space<vmem>>, vector<1x16xf32>,
      %swap3A_106 = vector.shape_cast %swap3A_105 : vector<1x16xf32> to vector<16xf32>
      %swap3A_107 = vector.shape_cast %scan3A_92#2 : vector<16xf32> to vector<1x16xf32>
      tpu.vector_store %arg8[%swap3A_103, %swap3A_104], %swap3A_107 {strides = array<i32>} : memref<128x64xf32, #tpu.memory_space<vmem>>, vector<1x16xf32>,
      %swap3A_108 = arith.index_cast %mul3A_31 : i32 to index
      %swap3A_109 = arith.constant 48 : index
      %swap3A_110 = tpu.vector_load %arg8[%swap3A_108, %swap3A_109] {strides = array<i32>} : memref<128x64xf32, #tpu.memory_space<vmem>>, vector<1x16xf32>,
      %swap3A_111 = vector.shape_cast %swap3A_110 : vector<1x16xf32> to vector<16xf32>
      %swap3A_112 = vector.shape_cast %scan3A_92#3 : vector<16xf32> to vector<1x16xf32>
      tpu.vector_store %arg8[%swap3A_108, %swap3A_109], %swap3A_112 {strides = array<i32>} : memref<128x64xf32, #tpu.memory_space<vmem>>, vector<1x16xf32>,
      %lt3A = arith.constant 63 : i32
      %lt3A_113 = arith.cmpi slt, %scan3A_29, %lt3A : i32
      %convert_element_type3A = arith.extui %lt3A_113 : i1 to i32
      %cond3A = arith.constant 0 : i32
      %cond3A_114 = arith.cmpi ne, %convert_element_type3A, %cond3A : i32
      scf.if %cond3A_114 {
        %add3A_177 = arith.constant 2 : i32
        %add3A_178 = arith.addi %mul3A_31, %add3A_177 : i32
        %mul3A_179 = arith.constant 2 : i32
        %mul3A_180 = arith.muli %mul3A_179, %add3A_178 : i32
        %dma_start3A_181 = arith.constant 0 : i32
        %dma_start3A_182 = arith.constant 0 : i32
        %dma_start3A_183 = tpu.memref_slice %arg6[%dma_start3A_181, %dma_start3A_182] : memref<200x64xf32, #tpu.memory_space<vmem>> -> memref<100x64xf32, #tpu.memory_space<vmem>>
        %dma_start3A_184 = arith.constant 0 : i32
        %dma_start3A_185 = tpu.memref_slice %arg5[%mul3A_180, %dma_start3A_184] : memref<256x100xi32, #tpu.memory_space<vmem>> -> memref<1x100xi32, #tpu.memory_space<vmem>>
        %dma_start3A_186 = tpu.memref_squeeze %dma_start3A_185 : memref<1x100xi32, #tpu.memory_space<vmem>> -> memref<100xi32, #tpu.memory_space<vmem>>
        %dma_start3A_187 = arith.constant 0 : i32
        %dma_start3A_188 = arith.constant 0 : i32
        %dma_start3A_189 = tpu.memref_slice %arg2[%dma_start3A_187, %dma_start3A_188] : memref<1001472x64xf32, #tpu.memory_space<hbm>> -> memref<1001472x64xf32, #tpu.memory_space<hbm>>
        tpu.enqueue_indirect_dma source(%dma_start3A_189 : memref<1001472x64xf32, #tpu.memory_space<hbm>>) target(%dma_start3A_183 : memref<100x64xf32, #tpu.memory_space<vmem>>) offsets(%dma_start3A_186 : memref<100xi32, #tpu.memory_space<vmem>>) semaphore(%arg9 : memref<!tpu.dma_semaphore, #tpu.memory_space<semaphore_mem>>)
        %mul3A_190 = arith.constant 2 : i32
        %mul3A_191 = arith.muli %mul3A_190, %add3A_178 : i32
        %add3A_192 = arith.constant 1 : i32
        %add3A_193 = arith.addi %mul3A_191, %add3A_192 : i32
        %dma_start3A_194 = arith.constant 100 : i32
        %dma_start3A_195 = arith.constant 0 : i32
        %dma_start3A_196 = tpu.memref_slice %arg6[%dma_start3A_194, %dma_start3A_195] : memref<200x64xf32, #tpu.memory_space<vmem>> -> memref<100x64xf32, #tpu.memory_space<vmem>>
        %dma_start3A_197 = arith.constant 0 : i32
        %dma_start3A_198 = tpu.memref_slice %arg5[%add3A_193, %dma_start3A_197] : memref<256x100xi32, #tpu.memory_space<vmem>> -> memref<1x100xi32, #tpu.memory_space<vmem>>
        %dma_start3A_199 = tpu.memref_squeeze %dma_start3A_198 : memref<1x100xi32, #tpu.memory_space<vmem>> -> memref<100xi32, #tpu.memory_space<vmem>>
        %dma_start3A_200 = arith.constant 0 : i32
        %dma_start3A_201 = arith.constant 0 : i32
        %dma_start3A_202 = tpu.memref_slice %arg2[%dma_start3A_200, %dma_start3A_201] : memref<1001472x64xf32, #tpu.memory_space<hbm>> -> memref<1001472x64xf32, #tpu.memory_space<hbm>>
        tpu.enqueue_indirect_dma source(%dma_start3A_202 : memref<1001472x64xf32, #tpu.memory_space<hbm>>) target(%dma_start3A_196 : memref<100x64xf32, #tpu.memory_space<vmem>>) offsets(%dma_start3A_199 : memref<100xi32, #tpu.memory_space<vmem>>) semaphore(%arg9 : memref<!tpu.dma_semaphore, #tpu.memory_space<semaphore_mem>>)
      } else {
      }
      %add3A_115 = arith.constant 1 : i32
      %add3A_116 = arith.addi %mul3A_31, %add3A_115 : i32
      %mul3A_117 = arith.constant 2 : i32
      %mul3A_118 = arith.muli %mul3A_117, %add3A_116 : i32
      %dma_wait3A_119 = arith.constant 0 : i32
      %dma_wait3A_120 = arith.constant 0 : i32
      %dma_wait3A_121 = tpu.memref_slice %arg7[%dma_wait3A_119, %dma_wait3A_120] : memref<200x64xf32, #tpu.memory_space<vmem>> -> memref<100x64xf32, #tpu.memory_space<vmem>>
      %dma_wait3A_122 = arith.constant 0 : i32
      %dma_wait3A_123 = tpu.memref_slice %arg5[%mul3A_118, %dma_wait3A_122] : memref<256x100xi32, #tpu.memory_space<vmem>> -> memref<1x100xi32, #tpu.memory_space<vmem>>
      %dma_wait3A_124 = tpu.memref_squeeze %dma_wait3A_123 : memref<1x100xi32, #tpu.memory_space<vmem>> -> memref<100xi32, #tpu.memory_space<vmem>>
      %dma_wait3A_125 = arith.constant 0 : i32
      %dma_wait3A_126 = arith.constant 0 : i32
      %dma_wait3A_127 = tpu.memref_slice %arg2[%dma_wait3A_125, %dma_wait3A_126] : memref<1001472x64xf32, #tpu.memory_space<hbm>> -> memref<1001472x64xf32, #tpu.memory_space<hbm>>
      tpu.wait_indirect_dma semaphore(%arg10 : memref<!tpu.dma_semaphore, #tpu.memory_space<semaphore_mem>>) src(%dma_wait3A_127 : memref<1001472x64xf32, #tpu.memory_space<hbm>>) dst(%dma_wait3A_121 : memref<100x64xf32, #tpu.memory_space<vmem>>)
      %mul3A_128 = arith.constant 2 : i32
      %mul3A_129 = arith.muli %mul3A_128, %add3A_116 : i32
      %add3A_130 = arith.constant 1 : i32
      %add3A_131 = arith.addi %mul3A_129, %add3A_130 : i32
      %dma_wait3A_132 = arith.constant 100 : i32
      %dma_wait3A_133 = arith.constant 0 : i32
      %dma_wait3A_134 = tpu.memref_slice %arg7[%dma_wait3A_132, %dma_wait3A_133] : memref<200x64xf32, #tpu.memory_space<vmem>> -> memref<100x64xf32, #tpu.memory_space<vmem>>
      %dma_wait3A_135 = arith.constant 0 : i32
      %dma_wait3A_136 = tpu.memref_slice %arg5[%add3A_131, %dma_wait3A_135] : memref<256x100xi32, #tpu.memory_space<vmem>> -> memref<1x100xi32, #tpu.memory_space<vmem>>
      %dma_wait3A_137 = tpu.memref_squeeze %dma_wait3A_136 : memref<1x100xi32, #tpu.memory_space<vmem>> -> memref<100xi32, #tpu.memory_space<vmem>>
      %dma_wait3A_138 = arith.constant 0 : i32
      %dma_wait3A_139 = arith.constant 0 : i32
      %dma_wait3A_140 = tpu.memref_slice %arg2[%dma_wait3A_138, %dma_wait3A_139] : memref<1001472x64xf32, #tpu.memory_space<hbm>> -> memref<1001472x64xf32, #tpu.memory_space<hbm>>
      tpu.wait_indirect_dma semaphore(%arg10 : memref<!tpu.dma_semaphore, #tpu.memory_space<semaphore_mem>>) src(%dma_wait3A_140 : memref<1001472x64xf32, #tpu.memory_space<hbm>>) dst(%dma_wait3A_134 : memref<100x64xf32, #tpu.memory_space<vmem>>)
      %add3A_141 = arith.constant 1 : i32
      %add3A_142 = arith.addi %mul3A_31, %add3A_141 : i32
      %broadcast_in_dim3A_143 = arith.constant 0.000000e+00 : f32
      %broadcast_in_dim3A_144 = vector.broadcast %broadcast_in_dim3A_143 : f32 to vector<16xf32>
      %broadcast_in_dim3A_145 = arith.constant 0.000000e+00 : f32
      %broadcast_in_dim3A_146 = vector.broadcast %broadcast_in_dim3A_145 : f32 to vector<16xf32>
      %broadcast_in_dim3A_147 = arith.constant 0.000000e+00 : f32
      %broadcast_in_dim3A_148 = vector.broadcast %broadcast_in_dim3A_147 : f32 to vector<16xf32>
      %broadcast_in_dim3A_149 = arith.constant 0.000000e+00 : f32
      %broadcast_in_dim3A_150 = vector.broadcast %broadcast_in_dim3A_149 : f32 to vector<16xf32>
      %scan3A_151 = arith.constant 0 : i32
      %scan3A_152 = arith.constant 50 : i32
      %scan3A_153 = arith.addi %scan3A_151, %scan3A_152 : i32
      %scan3A_154 = arith.constant 1 : i32
      %scan3A_155:4 = scf.for %scan3A_177 = %scan3A_151 to %scan3A_153 step %scan3A_154 iter_args(%scan3A_178 = %broadcast_in_dim3A_144, %scan3A_179 = %broadcast_in_dim3A_146, %scan3A_180 = %broadcast_in_dim3A_148, %scan3A_181 = %broadcast_in_dim3A_150) -> (vector<16xf32>, vector<16xf32>, vector<16xf32>, vector<16xf32>)  : i32 {
        %mul3A_182 = arith.constant 4 : i32
        %mul3A_183 = arith.muli %mul3A_182, %scan3A_177 : i32
        %add3A_184 = arith.constant 0 : i32
        %add3A_185 = arith.addi %mul3A_183, %add3A_184 : i32
        %get3A = arith.index_cast %add3A_185 : i32 to index
        %get3A_186 = arith.constant 0 : index
        %get3A_187 = tpu.vector_load %arg7[%get3A, %get3A_186] {strides = array<i32>} : memref<200x64xf32, #tpu.memory_space<vmem>>, vector<1x16xf32>,
        %get3A_188 = vector.shape_cast %get3A_187 : vector<1x16xf32> to vector<16xf32>
        %add3A_189 = arith.addf %scan3A_178, %get3A_188 : vector<16xf32>
        %mul3A_190 = arith.constant 4 : i32
        %mul3A_191 = arith.muli %mul3A_190, %scan3A_177 : i32
        %add3A_192 = arith.constant 1 : i32
        %add3A_193 = arith.addi %mul3A_191, %add3A_192 : i32
        %get3A_194 = arith.index_cast %add3A_193 : i32 to index
        %get3A_195 = arith.constant 0 : index
        %get3A_196 = tpu.vector_load %arg7[%get3A_194, %get3A_195] {strides = array<i32>} : memref<200x64xf32, #tpu.memory_space<vmem>>, vector<1x16xf32>,
        %get3A_197 = vector.shape_cast %get3A_196 : vector<1x16xf32> to vector<16xf32>
        %add3A_198 = arith.addf %add3A_189, %get3A_197 : vector<16xf32>
        %mul3A_199 = arith.constant 4 : i32
        %mul3A_200 = arith.muli %mul3A_199, %scan3A_177 : i32
        %add3A_201 = arith.constant 2 : i32
        %add3A_202 = arith.addi %mul3A_200, %add3A_201 : i32
        %get3A_203 = arith.index_cast %add3A_202 : i32 to index
        %get3A_204 = arith.constant 0 : index
        %get3A_205 = tpu.vector_load %arg7[%get3A_203, %get3A_204] {strides = array<i32>} : memref<200x64xf32, #tpu.memory_space<vmem>>, vector<1x16xf32>,
        %get3A_206 = vector.shape_cast %get3A_205 : vector<1x16xf32> to vector<16xf32>
        %add3A_207 = arith.addf %add3A_198, %get3A_206 : vector<16xf32>
        %mul3A_208 = arith.constant 4 : i32
        %mul3A_209 = arith.muli %mul3A_208, %scan3A_177 : i32
        %add3A_210 = arith.constant 3 : i32
        %add3A_211 = arith.addi %mul3A_209, %add3A_210 : i32
        %get3A_212 = arith.index_cast %add3A_211 : i32 to index
        %get3A_213 = arith.constant 0 : index
        %get3A_214 = tpu.vector_load %arg7[%get3A_212, %get3A_213] {strides = array<i32>} : memref<200x64xf32, #tpu.memory_space<vmem>>, vector<1x16xf32>,
        %get3A_215 = vector.shape_cast %get3A_214 : vector<1x16xf32> to vector<16xf32>
        %add3A_216 = arith.addf %add3A_207, %get3A_215 : vector<16xf32>
        %mul3A_217 = arith.constant 4 : i32
        %mul3A_218 = arith.muli %mul3A_217, %scan3A_177 : i32
        %add3A_219 = arith.constant 0 : i32
        %add3A_220 = arith.addi %mul3A_218, %add3A_219 : i32
        %get3A_221 = arith.index_cast %add3A_220 : i32 to index
        %get3A_222 = arith.constant 16 : index
        %get3A_223 = tpu.vector_load %arg7[%get3A_221, %get3A_222] {strides = array<i32>} : memref<200x64xf32, #tpu.memory_space<vmem>>, vector<1x16xf32>,
        %get3A_224 = vector.shape_cast %get3A_223 : vector<1x16xf32> to vector<16xf32>
        %add3A_225 = arith.addf %scan3A_179, %get3A_224 : vector<16xf32>
        %mul3A_226 = arith.constant 4 : i32
        %mul3A_227 = arith.muli %mul3A_226, %scan3A_177 : i32
        %add3A_228 = arith.constant 1 : i32
        %add3A_229 = arith.addi %mul3A_227, %add3A_228 : i32
        %get3A_230 = arith.index_cast %add3A_229 : i32 to index
        %get3A_231 = arith.constant 16 : index
        %get3A_232 = tpu.vector_load %arg7[%get3A_230, %get3A_231] {strides = array<i32>} : memref<200x64xf32, #tpu.memory_space<vmem>>, vector<1x16xf32>,
        %get3A_233 = vector.shape_cast %get3A_232 : vector<1x16xf32> to vector<16xf32>
        %add3A_234 = arith.addf %add3A_225, %get3A_233 : vector<16xf32>
        %mul3A_235 = arith.constant 4 : i32
        %mul3A_236 = arith.muli %mul3A_235, %scan3A_177 : i32
        %add3A_237 = arith.constant 2 : i32
        %add3A_238 = arith.addi %mul3A_236, %add3A_237 : i32
        %get3A_239 = arith.index_cast %add3A_238 : i32 to index
        %get3A_240 = arith.constant 16 : index
        %get3A_241 = tpu.vector_load %arg7[%get3A_239, %get3A_240] {strides = array<i32>} : memref<200x64xf32, #tpu.memory_space<vmem>>, vector<1x16xf32>,
        %get3A_242 = vector.shape_cast %get3A_241 : vector<1x16xf32> to vector<16xf32>
        %add3A_243 = arith.addf %add3A_234, %get3A_242 : vector<16xf32>
        %mul3A_244 = arith.constant 4 : i32
        %mul3A_245 = arith.muli %mul3A_244, %scan3A_177 : i32
        %add3A_246 = arith.constant 3 : i32
        %add3A_247 = arith.addi %mul3A_245, %add3A_246 : i32
        %get3A_248 = arith.index_cast %add3A_247 : i32 to index
        %get3A_249 = arith.constant 16 : index
        %get3A_250 = tpu.vector_load %arg7[%get3A_248, %get3A_249] {strides = array<i32>} : memref<200x64xf32, #tpu.memory_space<vmem>>, vector<1x16xf32>,
        %get3A_251 = vector.shape_cast %get3A_250 : vector<1x16xf32> to vector<16xf32>
        %add3A_252 = arith.addf %add3A_243, %get3A_251 : vector<16xf32>
        %mul3A_253 = arith.constant 4 : i32
        %mul3A_254 = arith.muli %mul3A_253, %scan3A_177 : i32
        %add3A_255 = arith.constant 0 : i32
        %add3A_256 = arith.addi %mul3A_254, %add3A_255 : i32
        %get3A_257 = arith.index_cast %add3A_256 : i32 to index
        %get3A_258 = arith.constant 32 : index
        %get3A_259 = tpu.vector_load %arg7[%get3A_257, %get3A_258] {strides = array<i32>} : memref<200x64xf32, #tpu.memory_space<vmem>>, vector<1x16xf32>,
        %get3A_260 = vector.shape_cast %get3A_259 : vector<1x16xf32> to vector<16xf32>
        %add3A_261 = arith.addf %scan3A_180, %get3A_260 : vector<16xf32>
        %mul3A_262 = arith.constant 4 : i32
        %mul3A_263 = arith.muli %mul3A_262, %scan3A_177 : i32
        %add3A_264 = arith.constant 1 : i32
        %add3A_265 = arith.addi %mul3A_263, %add3A_264 : i32
        %get3A_266 = arith.index_cast %add3A_265 : i32 to index
        %get3A_267 = arith.constant 32 : index
        %get3A_268 = tpu.vector_load %arg7[%get3A_266, %get3A_267] {strides = array<i32>} : memref<200x64xf32, #tpu.memory_space<vmem>>, vector<1x16xf32>,
        %get3A_269 = vector.shape_cast %get3A_268 : vector<1x16xf32> to vector<16xf32>
        %add3A_270 = arith.addf %add3A_261, %get3A_269 : vector<16xf32>
        %mul3A_271 = arith.constant 4 : i32
        %mul3A_272 = arith.muli %mul3A_271, %scan3A_177 : i32
        %add3A_273 = arith.constant 2 : i32
        %add3A_274 = arith.addi %mul3A_272, %add3A_273 : i32
        %get3A_275 = arith.index_cast %add3A_274 : i32 to index
        %get3A_276 = arith.constant 32 : index
        %get3A_277 = tpu.vector_load %arg7[%get3A_275, %get3A_276] {strides = array<i32>} : memref<200x64xf32, #tpu.memory_space<vmem>>, vector<1x16xf32>,
        %get3A_278 = vector.shape_cast %get3A_277 : vector<1x16xf32> to vector<16xf32>
        %add3A_279 = arith.addf %add3A_270, %get3A_278 : vector<16xf32>
        %mul3A_280 = arith.constant 4 : i32
        %mul3A_281 = arith.muli %mul3A_280, %scan3A_177 : i32
        %add3A_282 = arith.constant 3 : i32
        %add3A_283 = arith.addi %mul3A_281, %add3A_282 : i32
        %get3A_284 = arith.index_cast %add3A_283 : i32 to index
        %get3A_285 = arith.constant 32 : index
        %get3A_286 = tpu.vector_load %arg7[%get3A_284, %get3A_285] {strides = array<i32>} : memref<200x64xf32, #tpu.memory_space<vmem>>, vector<1x16xf32>,
        %get3A_287 = vector.shape_cast %get3A_286 : vector<1x16xf32> to vector<16xf32>
        %add3A_288 = arith.addf %add3A_279, %get3A_287 : vector<16xf32>
        %mul3A_289 = arith.constant 4 : i32
        %mul3A_290 = arith.muli %mul3A_289, %scan3A_177 : i32
        %add3A_291 = arith.constant 0 : i32
        %add3A_292 = arith.addi %mul3A_290, %add3A_291 : i32
        %get3A_293 = arith.index_cast %add3A_292 : i32 to index
        %get3A_294 = arith.constant 48 : index
        %get3A_295 = tpu.vector_load %arg7[%get3A_293, %get3A_294] {strides = array<i32>} : memref<200x64xf32, #tpu.memory_space<vmem>>, vector<1x16xf32>,
        %get3A_296 = vector.shape_cast %get3A_295 : vector<1x16xf32> to vector<16xf32>
        %add3A_297 = arith.addf %scan3A_181, %get3A_296 : vector<16xf32>
        %mul3A_298 = arith.constant 4 : i32
        %mul3A_299 = arith.muli %mul3A_298, %scan3A_177 : i32
        %add3A_300 = arith.constant 1 : i32
        %add3A_301 = arith.addi %mul3A_299, %add3A_300 : i32
        %get3A_302 = arith.index_cast %add3A_301 : i32 to index
        %get3A_303 = arith.constant 48 : index
        %get3A_304 = tpu.vector_load %arg7[%get3A_302, %get3A_303] {strides = array<i32>} : memref<200x64xf32, #tpu.memory_space<vmem>>, vector<1x16xf32>,
        %get3A_305 = vector.shape_cast %get3A_304 : vector<1x16xf32> to vector<16xf32>
        %add3A_306 = arith.addf %add3A_297, %get3A_305 : vector<16xf32>
        %mul3A_307 = arith.constant 4 : i32
        %mul3A_308 = arith.muli %mul3A_307, %scan3A_177 : i32
        %add3A_309 = arith.constant 2 : i32
        %add3A_310 = arith.addi %mul3A_308, %add3A_309 : i32
        %get3A_311 = arith.index_cast %add3A_310 : i32 to index
        %get3A_312 = arith.constant 48 : index
        %get3A_313 = tpu.vector_load %arg7[%get3A_311, %get3A_312] {strides = array<i32>} : memref<200x64xf32, #tpu.memory_space<vmem>>, vector<1x16xf32>,
        %get3A_314 = vector.shape_cast %get3A_313 : vector<1x16xf32> to vector<16xf32>
        %add3A_315 = arith.addf %add3A_306, %get3A_314 : vector<16xf32>
        %mul3A_316 = arith.constant 4 : i32
        %mul3A_317 = arith.muli %mul3A_316, %scan3A_177 : i32
        %add3A_318 = arith.constant 3 : i32
        %add3A_319 = arith.addi %mul3A_317, %add3A_318 : i32
        %get3A_320 = arith.index_cast %add3A_319 : i32 to index
        %get3A_321 = arith.constant 48 : index
        %get3A_322 = tpu.vector_load %arg7[%get3A_320, %get3A_321] {strides = array<i32>} : memref<200x64xf32, #tpu.memory_space<vmem>>, vector<1x16xf32>,
        %get3A_323 = vector.shape_cast %get3A_322 : vector<1x16xf32> to vector<16xf32>
        %add3A_324 = arith.addf %add3A_315, %get3A_323 : vector<16xf32>
        scf.yield %add3A_216, %add3A_252, %add3A_288, %add3A_324 : vector<16xf32>, vector<16xf32>, vector<16xf32>, vector<16xf32>
      }
      %scan3A_156 = arith.constant 50 : i32
      %swap3A_157 = arith.index_cast %add3A_142 : i32 to index
      %swap3A_158 = arith.constant 0 : index
      %swap3A_159 = tpu.vector_load %arg8[%swap3A_157, %swap3A_158] {strides = array<i32>} : memref<128x64xf32, #tpu.memory_space<vmem>>, vector<1x16xf32>,
      %swap3A_160 = vector.shape_cast %swap3A_159 : vector<1x16xf32> to vector<16xf32>
      %swap3A_161 = vector.shape_cast %scan3A_155#0 : vector<16xf32> to vector<1x16xf32>
      tpu.vector_store %arg8[%swap3A_157, %swap3A_158], %swap3A_161 {strides = array<i32>} : memref<128x64xf32, #tpu.memory_space<vmem>>, vector<1x16xf32>,
      %swap3A_162 = arith.index_cast %add3A_142 : i32 to index
      %swap3A_163 = arith.constant 16 : index
      %swap3A_164 = tpu.vector_load %arg8[%swap3A_162, %swap3A_163] {strides = array<i32>} : memref<128x64xf32, #tpu.memory_space<vmem>>, vector<1x16xf32>,
      %swap3A_165 = vector.shape_cast %swap3A_164 : vector<1x16xf32> to vector<16xf32>
      %swap3A_166 = vector.shape_cast %scan3A_155#1 : vector<16xf32> to vector<1x16xf32>
      tpu.vector_store %arg8[%swap3A_162, %swap3A_163], %swap3A_166 {strides = array<i32>} : memref<128x64xf32, #tpu.memory_space<vmem>>, vector<1x16xf32>,
      %swap3A_167 = arith.index_cast %add3A_142 : i32 to index
      %swap3A_168 = arith.constant 32 : index
      %swap3A_169 = tpu.vector_load %arg8[%swap3A_167, %swap3A_168] {strides = array<i32>} : memref<128x64xf32, #tpu.memory_space<vmem>>, vector<1x16xf32>,
      %swap3A_170 = vector.shape_cast %swap3A_169 : vector<1x16xf32> to vector<16xf32>
      %swap3A_171 = vector.shape_cast %scan3A_155#2 : vector<16xf32> to vector<1x16xf32>
      tpu.vector_store %arg8[%swap3A_167, %swap3A_168], %swap3A_171 {strides = array<i32>} : memref<128x64xf32, #tpu.memory_space<vmem>>, vector<1x16xf32>,
      %swap3A_172 = arith.index_cast %add3A_142 : i32 to index
      %swap3A_173 = arith.constant 48 : index
      %swap3A_174 = tpu.vector_load %arg8[%swap3A_172, %swap3A_173] {strides = array<i32>} : memref<128x64xf32, #tpu.memory_space<vmem>>, vector<1x16xf32>,
      %swap3A_175 = vector.shape_cast %swap3A_174 : vector<1x16xf32> to vector<16xf32>
      %swap3A_176 = vector.shape_cast %scan3A_155#3 : vector<16xf32> to vector<1x16xf32>
      tpu.vector_store %arg8[%swap3A_172, %swap3A_173], %swap3A_176 {strides = array<i32>} : memref<128x64xf32, #tpu.memory_space<vmem>>, vector<1x16xf32>,
    }
    %scan3A_28 = arith.constant 64 : i32
    "tpu.region"() ({
      %run_scoped3A = tpu.sem_alloc : memref<!tpu.dma_semaphore, #tpu.memory_space<semaphore_mem>>
      %dma_start3A_29 = arith.constant 0 : i32
      %dma_start3A_30 = tpu.memref_slice %arg4[%mul3A_2, %dma_start3A_29] : memref<4096x64xf32, #tpu.memory_space<hbm>> -> memref<128x64xf32, #tpu.memory_space<hbm>>
      %dma_start3A_31 = arith.constant 0 : i32
      %dma_start3A_32 = tpu.memref_slice %arg4[%mul3A_2, %dma_start3A_31] : memref<4096x64xf32, #tpu.memory_space<hbm>> -> memref<128x64xf32, #tpu.memory_space<hbm>>
      tpu.enqueue_dma source(%arg8 : memref<128x64xf32, #tpu.memory_space<vmem>>) target(%dma_start3A_32 : memref<128x64xf32, #tpu.memory_space<hbm>>) target_semaphore(%run_scoped3A : memref<!tpu.dma_semaphore, #tpu.memory_space<semaphore_mem>>)
      %dma_wait3A = arith.constant 0 : i32
      %dma_wait3A_33 = tpu.memref_slice %arg4[%mul3A_2, %dma_wait3A] : memref<4096x64xf32, #tpu.memory_space<hbm>> -> memref<128x64xf32, #tpu.memory_space<hbm>>
      %dma_wait3A_34 = arith.constant 0 : i32
      %dma_wait3A_35 = tpu.memref_slice %arg4[%mul3A_2, %dma_wait3A_34] : memref<4096x64xf32, #tpu.memory_space<hbm>> -> memref<128x64xf32, #tpu.memory_space<hbm>>
      tpu.wait_dma2 semaphore(%run_scoped3A : memref<!tpu.dma_semaphore, #tpu.memory_space<semaphore_mem>>) src(%arg8 : memref<128x64xf32, #tpu.memory_space<vmem>>) dst(%dma_wait3A_35 : memref<128x64xf32, #tpu.memory_space<hbm>>)
      tpu.yield
    }) : () -> ()
    return
  }
}

module attributes {stable_mosaic.version = 14 : i64} {
  func.func @body(%arg0: i32, %arg1: memref<64x2048xf32, #tpu.memory_space<vmem>>, %arg2: memref<1024x128xf32, #tpu.memory_space<vmem>>) attributes {dimension_semantics = [#tpu.dimension_semantics<arbitrary>], iteration_bounds = array<i64: 489>, scalar_prefetch = 0 : i64, scratch_operands = 0 : i64, tpu.core_type = #tpu.core_type<tc>, window_params = [{transform_indices = @transform_0, window_bounds = array<i64: 64, 2048>}, {transform_indices = @transform_1, window_bounds = array<i64: 1024, 128>}]} {
    %get3A = arith.constant 0 : index
    %get3A_0 = arith.constant 0 : index
    %get3A_1 = vector.load %arg1[%get3A, %get3A_0] : memref<64x2048xf32, #tpu.memory_space<vmem>>, vector<64x2048xf32>
    %transpose3A = tpu.transpose %get3A_1, [1, 0] : vector<64x2048xf32> -> vector<2048x64xf32>
    %slice3A = vector.extract_strided_slice %transpose3A {offsets = [0, 0], sizes = [1024, 64], strides = [1, 1]} : vector<2048x64xf32> to vector<1024x64xf32>
    %slice3A_2 = vector.extract_strided_slice %transpose3A {offsets = [1024, 0], sizes = [1024, 64], strides = [1, 1]} : vector<2048x64xf32> to vector<1024x64xf32>
    %concatenate3A = tpu.concatenate %slice3A, %slice3A_2 in 1 : vector<1024x64xf32>, vector<1024x64xf32> -> vector<1024x128xf32>
    %swap3A = arith.constant 0 : index
    %swap3A_3 = arith.constant 0 : index
    %swap3A_4 = vector.load %arg2[%swap3A, %swap3A_3] : memref<1024x128xf32, #tpu.memory_space<vmem>>, vector<1024x128xf32>
    tpu.vector_store %arg2[%swap3A, %swap3A_3], %concatenate3A {strides = array<i32>} : memref<1024x128xf32, #tpu.memory_space<vmem>>, vector<1024x128xf32>,
    return
  }
  func.func @transform_0(%arg0: i32) -> (i32, i32) {
    %c0_i32 = arith.constant 0 : i32
    %c0_i32_0 = arith.constant 0 : i32
    return %c0_i32, %arg0 : i32, i32
  }
  func.func @transform_1(%arg0: i32) -> (i32, i32) {
    %c0_i32 = arith.constant 0 : i32
    %c0_i32_0 = arith.constant 0 : i32
    return %arg0, %c0_i32 : i32, i32
  }
}

</mosaic_0001>

<sc_bundles>
// kernel: kernel.4.cloned.1.call-start
scs
__scs_entry_jumppad:
0x0: {  	(pc) =	sbr.rel $0x88, $3  }
0x1: {  	(tag) =	ssettag $0x0;
	lr =	simm.s32 $0x1  }
0x2: {  	[smem:$0x3F9F] =	sst lr;
	_ =	strace $0xD0000000  }
0x3: {  	_ = 	snop  }
0x4: {  	_ = 	snop  }
0x5: {  	_ = 	snop  }
0x6: {  	_ = 	snop  }
0x7: {  	_ = 	snop  }
__scs_overlays_trampoline_lowered:
0x8: {  	[smem:$0x3FAE] =	sst s0  }
0x9: {  	[smem:$0x3FAF] =	sst s1  }
0xa: {  	[smem:$0x3FB0] =	sst s2  }
0xb: {  	[smem:$0x3FB1] =	sst s3  }
0xc: {  	[smem:$0x3FB2] =	sst s4  }
0xd: {  	[smem:$0x3FB3] =	sst s5  }
0xe: {  	[smem:$0x3FB4] =	sst s6  }
0xf: {  	[smem:$0x3FB5] =	sst s7  }
0x10: {  	[smem:$0x3FB6] =	sst s8  }
0x11: {  	[smem:$0x3FB7] =	sst s9;
	s0 =	simm.s32 @!p0 $0x0  }
0x12: {  	s1 =	sld [smem:$0x3F9D];
	s0 =	simm.s32 @p0 $0x1  }
0x13: {  	[smem:$0x3FB8] =	sst s0;
	s0 =	simm.s32 @!p1 $0x0  }
0x14: {  	s2 =	sld [smem:$0x3F9C];
	s0 =	simm.s32 @p1 $0x1  }
0x15: {  	[smem:$0x3FB9] =	sst s0;
	s0 =	simm.s32 @!p2 $0x0  }
0x16: {  	s3 =	sld [smem:$0x3FDB];
	s0 =	simm.s32 @p2 $0x1  }
0x17: {  	s4 =	simm.s32 $0x1BF5;
	[smem:$0x3FBB] =	sst s0  }
0x18: {  	s0 =	sld [smem:$0x3F9E];
	_ =	swait.ge [sflag:s4], $0x0  }
0x19: {  	s7 =	sld [smem:$0x3F9F]  }
0x1a: {  	s8 =	sadd.s32 $0xFFFFE003, lr  }
0x1b: {  	s9 =	sadd.s32 $0xFFFFFEF7, lr;
	s5 =	simm.s32 $0xFFFFFFFF;
	p2 =	slt.u32 s8, $0xFFFFF086  }
0x1c: {  	p1 =	slt.u32 s9, $0xF7A;
	s5 =	simm.s32 @!p2 $0x0  }
0x1d: {  	s5 =	simm.s32 @p1 $0x1;
	p0 =	seq.s32 s7, s2  }
0x1e: {  	s7 =	smul.u32 @!p0 $0xF7A, s2;
	p2 =	seq.s32 @!p0 s5, $0x0  }
0x1f: {  	s9 =	smul.u32 $0xF7A, s1;
	s8 =	simm.s32 @!p0 $0x1BF5;
	p2 =	por !p2, p0  }
0x20: {  	[sflag:s8] =	ssyncset.s32 @!p0 $0xFFFFF086;
	s6 =	sadd.s32 @!p0 s3, s7;
	s7 =	simm.s32 @!p0 $0x108  }
0x21: {  	s3 =	sadd.s32 s3, s9;
	s6 =	sadd.s32 @!p0 $0x88, s6;
	s7 =	simm.s32 @p2 $0x1082  }
0x22: {  	[simem:s7], [sflag:s8] =	dma.local @!p0 [hbm:s6], $0xF7A  }
0x23: {  	s9 =	sor.u32 $0xD0000000, s2;
	s6 =	simm.s32 $0x108;
	_ =	swait.ge @!p0 [sflag:s8], $0x0  }
0x24: {  	s3 =	sadd.s32 $0x88, s3;
	s6 =	simm.s32 @!p1 $0x1082;
	[sflag:s4] =	ssyncset.s32 $0xFFFFF086  }
0x25: {  	[simem:s6], [sflag:s4] =	dma.local [hbm:s3], $0xF7A  }
0x26: {  	[smem:$0x3F9F] =	sst s1;
	(tag) =	ssettag s2;
	_ =	strace s9  }
0x27: {  	s1 =	sld [smem:$0x3FAF]  }
0x28: {  	s2 =	sld [smem:$0x3FB0]  }
0x29: {  	s4 =	sld [smem:$0x3FB2]  }
0x2a: {  	p0 =	seq.s32 s5, $0x0;
	s5 =	sld [smem:$0x3FB3]  }
0x2b: {  	s6 =	sld [smem:$0x3FB4]  }
0x2c: {  	s7 =	sld [smem:$0x3FB5]  }
0x2d: {  	s3 =	simm.s32 $0x108;
	s8 =	sld [smem:$0x3FB6]  }
0x2e: {  	s3 =	simm.s32 @!p0 $0x1082;
	s9 =	sld [smem:$0x3FB7]  }
0x2f: {  	lr =	sadd.s32 s0, s3;
	s0 =	sld [smem:$0x3FAE]  }
0x30: {  	s3 =	sld [smem:$0x3FB1]  }
0x31: {  	[smem:$0x3FBA] =	sst s10  }
0x32: {  	s10 =	sld [smem:$0x3FB8];
	_ =	sdelay $0x3  }
0x33: {  	p0 =	seq.s32 s10, $0x1;
	s10 =	sld [smem:$0x3FBA];
	_ =	sdelay $0x3  }
0x34: {  	[smem:$0x3FBA] =	sst s10  }
0x35: {  	s10 =	sld [smem:$0x3FB9];
	_ =	sdelay $0x3  }
0x36: {  	p1 =	seq.s32 s10, $0x1;
	s10 =	sld [smem:$0x3FBA];
	_ =	sdelay $0x3  }
0x37: {  	[smem:$0x3FBA] =	sst s10  }
0x38: {  	s10 =	sld [smem:$0x3FBB]  }
0x39: {  	_ = 	snop;
	(pc) =	sbr.ind lr, $3  }
0x3a: {  	_ = 	snop  }
0x3b: {  	_ = 	snop  }
0x3c: {  	p2 =	seq.s32 s10, $0x1;
	s10 =	sld [smem:$0x3FBA]  }
0x3d: {  	_ =	shalt  }
0x3e: {  	_ =	shalt  }
0x3f: {  	_ =	shalt  }
0x40: {  	_ =	shalt  }
0x41: {  	_ =	shalt  }
0x42: {  	_ =	shalt  }
0x43: {  	_ =	shalt  }
0x44: {  	_ =	shalt  }
0x45: {  	_ =	shalt  }
0x46: {  	_ =	shalt  }
0x47: {  	_ =	shalt  }
0x48: {  	_ =	shalt  }
0x49: {  	_ =	shalt  }
0x4a: {  	_ =	shalt  }
0x4b: {  	_ =	shalt  }
0x4c: {  	_ =	shalt  }
0x4d: {  	_ =	shalt  }
0x4e: {  	_ =	shalt  }
0x4f: {  	_ =	shalt  }
0x50: {  	_ =	shalt  }
0x51: {  	_ =	shalt  }
0x52: {  	_ =	shalt  }
0x53: {  	_ =	shalt  }
0x54: {  	_ =	shalt  }
0x55: {  	_ =	shalt  }
0x56: {  	_ =	shalt  }
0x57: {  	_ =	shalt  }
0x58: {  	_ =	shalt  }
0x59: {  	_ =	shalt  }
0x5a: {  	_ =	shalt  }
0x5b: {  	_ =	shalt  }
0x5c: {  	_ =	shalt  }
0x5d: {  	_ =	shalt  }
0x5e: {  	_ =	shalt  }
0x5f: {  	_ =	shalt  }
0x60: {  	_ =	shalt  }
0x61: {  	_ =	shalt  }
0x62: {  	_ =	shalt  }
0x63: {  	_ =	shalt  }
0x64: {  	_ =	shalt  }
0x65: {  	_ =	shalt  }
0x66: {  	_ =	shalt  }
0x67: {  	_ =	shalt  }
0x68: {  	_ =	shalt  }
0x69: {  	_ =	shalt  }
0x6a: {  	_ =	shalt  }
0x6b: {  	_ =	shalt  }
0x6c: {  	_ =	shalt  }
0x6d: {  	_ =	shalt  }
0x6e: {  	_ =	shalt  }
0x6f: {  	_ =	shalt  }
0x70: {  	_ =	shalt  }
0x71: {  	_ =	shalt  }
0x72: {  	_ =	shalt  }
0x73: {  	_ =	shalt  }
0x74: {  	_ =	shalt  }
0x75: {  	_ =	shalt  }
0x76: {  	_ =	shalt  }
0x77: {  	_ =	shalt  }
0x78: {  	_ =	shalt  }
0x79: {  	_ =	shalt  }
0x7a: {  	_ =	shalt  }
0x7b: {  	_ =	shalt  }
0x7c: {  	_ =	shalt  }
0x7d: {  	_ =	shalt  }
0x7e: {  	_ =	shalt  }
0x7f: {  	_ =	shalt  }
0x80: {  	_ =	shalt  }
0x81: {  	_ =	shalt  }
0x82: {  	_ =	shalt  }
0x83: {  	_ =	shalt  }
0x84: {  	_ =	shalt  }
0x85: {  	_ =	shalt  }
0x86: {  	_ =	shalt  }
0x87: {  	_ =	shalt  }
.Lfunc_end0:
.L_simem_size_0:
called_computation_lowered:
.L_overlay_start_0:
0x88: {  	s2 =	sld [smem:$0x3FD9]  }
0x89: {  	s3 =	sld [smem:$0x3FFE];
	_ =	sdelay $0x1  }
0x8a: {  	s1 =	srdreg.scid  }
0x8b: {  	s0 =	sand.u32 $0x1, s1  }
0x8c: {  	s17 =	sshll.u32 s0, $0xA;
	s2 =	sadd.s32 s3, s2  }
0x8d: {  	s2 =	sadd.s32 s2, s17  }
0x8e: {  	[smem:$0x3FC6] =	sst s2  }
0x8f: {  	_ = 	snop  }
0x90: {  	s2 =	sld [smem:$0x3FD0];
	(tm) =	ssettm $0x1  }
0x91: {  	s18 =	sld [smem:$0x3FFB];
	_ =	sdelay $0x3  }
0x92: {  	_ =	strace s18  }
0x93: {  	s3 =	sld [smem:$0x3FFC];
	_ =	sdelay $0x3  }
0x94: {  	_ =	strace s3  }
0x95: {  	s3 =	sld [smem:$0x3FFD];
	_ =	sdelay $0x3  }
0x96: {  	_ =	strace s3  }
0x97: {  	_ =	strace $0x8FFFFFFF  }
0x98: {  	s19 =	sld [smem:$0x3FDB];
	_ =	sdelay $0x1  }
0x99: {  	s4 =	simm.s32 $_scs_section_size  }
0x9a: {  	s5 =	simm.s32 $_size__tile_overlayer_lowered;
	s6 =	simm.s32 $_tile_overlayer_lowered  }
0x9b: {  	s22 =	simm.s32 $0x1BFF;
	s21 =	sshll.u32 s6, $0x1;
	s3 =	sadd.s32 s4, s19  }
0x9c: {  	s7 =	simm.s32 $0x0;
	s20 =	sshll.u32 s5, $0x1;
	s5 =	sadd.s32 s21, s3  }
0x9d: {  	[timem:s7], [sflag:s22] =	dma.local [hbm:s5], s20  }
0x9e: {  	_ =	swait.ge [sflag:s22], s20  }
0x9f: {  	s4 =	ssub.s32 $0x0, s20;
	[sflag:s22] =	ssyncset.done $0x0  }
0xa0: {  	[sflag:s22] =	ssyncadd.s32 s4;
	_ =	sdelay $0x1  }
0xa1: {  	s23 =	simm.s32 $0x1B8B  }
0xa2: {  	_ =	swait.ge [sflag:s23], $0x1  }
0xa3: {  	[sflag:s23] =	ssyncset.done $0x0  }
0xa4: {  	s25 =	simm.s32 $0x1B8E;
	s24 =	sld [smem:$0x3FFE];
	[sflag:s23] =	ssyncadd.s32 $0xFFFFFFFF  }
0xa5: {  	s26 =	simm.s32 $execute0_lowered;
	[smem:$0x3FD2] =	sst s25  }
0xa6: {  	s5 =	sshll.u32 s26, $0x1;
	_ =	strace $0x80000046;
	[dreg:$0x1] =	wrdreg $0xFFFFFFFF  }
0xa7: {  	s28 =	simm.s32 $_size_execute0_lowered;
	s3 =	sadd.s32 s3, s5;
	[dreg:$0x0] =	wrdreg $0x0  }
0xa8: {  	s5 =	sshll.u32 s28, $0x1;
	[dreg:$0x2] =	wrdreg s3  }
0xa9: {  	[dreg:$0x3] =	wrdreg s5  }
0xaa: {  	[dreg:$0x4] =	wrdreg $0xC0  }
0xab: {  	_ =	task [dreg:s7], $0x5FFFF  }
0xac: {  	[dreg:$0x1] =	wrdreg $0xFFFFFFFF  }
0xad: {  	[dreg:$0x0] =	wrdreg $0x60  }
0xae: {  	[dreg:$0x2] =	wrdreg s24  }
0xaf: {  	[dreg:$0x3] =	wrdreg s2  }
0xb0: {  	[dreg:$0x4] =	wrdreg $0x9  }
0xb1: {  	_ =	task.clear_ibuf [dreg:s7], $0x5FFFF;
	_ =	strace $0x90000046  }
0xb2: {  	s29 =	simm.s32 $0x9;
	_ =	strace $0x80000048  }
0xb3: {  	_ =	swait.ge [sflag:s29], $0x1  }
0xb4: {  	[sflag:s29] =	ssyncadd.s32 $0xFFFFFFFF  }
0xb5: {  	_ =	strace $0x90000048  }
0xb6: {  	_ =	sfence  }
0xb7: {  	s30 =	sld [smem:$0x0];
	_ =	sdelay $0x2  }
0xb8: {  	s31 =	sshll.u32 s1, $0xD;
	s1 =	sshrl.u32 s1, $0x2  }
0xb9: {  	s3 =	sand.u32 $0x4000, s31;
	s1 =	sadd.s32 s1, s30  }
0xba: {  	s0 =	sor.u32 s3, s0;
	s1 =	sshll.u32 s1, $0x11  }
0xbb: {  	s0 =	sor.u32 s1, s0  }
0xbc: {  	s0 =	sadd.s32 $0x8F2B, s0  }
0xbd: {  	[sflag:s0] =	ssyncadd.remote.s32 $0x1  }
0xbe: {  	_ =	sfence.sel $0xFFFF  }
0xbf: {  	[dreg:$0x0] =	wrdreg $0xFFFFFFFF;
	(pc) =	sbr.abs _section_cstart, $3  }
0xc0: {  	[dreg:$0x1] =	wrdreg $0xFFFFFFFF  }
0xc1: {  	_ =	task.clear_ibuf [dreg:s7], $0x2FFFF;
	_ =	strace $0x9FFFFFFF  }
0xc2: {  	(tm) =	ssettm $0x7FFFFFFF  }
0xc3: {  	_ =	shalt  }
tec
execute0_lowered:
.L_overlay_start_1:
0x0: {  	(tag) =	ssettag $0x1  }
0x1: {  	s4 =	rddreg [dreg:$0x0];
	s1 =	srdreg.scid  }
0x2: {  	s0 =	stileid.u32;
	s5 =	rddreg [dreg:$0x1];
	s2 =	simm.s32 $0x0  }
0x3: {  	s9 =	simm.s32 $0x6800;
	s10 =	simm.s32 $0x68;
	s11 =	simm.s32 $0x8100  }
0x4: {  	s12 =	simm.s32 $0x9A00;
	s13 =	simm.s32 $0xB300;
	s14 =	simm.s32 $0x1  }
0x5: {  	s15 =	simm.s32 $0x2;
	s16 =	simm.s32 $0xCC00;
	s17 =	simm.s32 $0x0  }
0x6: {  	s6 =	sand.u32 $0x1, s1;
	s3 =	sshll.u32 s0, $0x1;
	s1 =	rddreg [dreg:$0x2]  }
0x7: {  	[smem:$0x7FF] =	sst s2;
	s7 =	sor.u32 s6, s3;
	s6 =	ssub.s32 $0x2, s6  }
0x8: {  	_ =	strace $0x80000047;
	s8 =	smul.u32 $0xD00, s7;
	s31 =	sshrl.u32 s6, $0x1  }
0x9: {  	s3 =	sadd.s32 $0x1A400, s4;
	s7 =	sshll.u32 s7, $0xA;
	s6 =	ssub.s32 s6, s31  }
0xa: {  	s5 =	sadd.s32 s5, s7;
	s7 =	simm.s32 $0x3;
	s4 =	sadd.s32 s8, s4  }
0xb: {  	s6 =	smax.u32 s6, $0x1;
	s8 =	simm.s32 $0x64;
	s4 =	sadd.s32 $0x400, s4  }
.LBB2_1:
0xc: {  	[tilespmem:s2], [sflag:$0x3] =	stream.linear.gather [hbm4b:s4+s2], $0x6800, $0x38;
	[tilespmem:$0xEC00] =	vst v63  }
0xd: {  	_ =	swait.ge [sflag:s7], $0x6800  }
0xe: {  	[sflag:s7] =	ssyncset.done $0x0  }
0xf: {  	[sflag:s7] =	ssyncadd.s32 $0xFFFF9800  }
0x10: {  	[tilespmem:s9], [sflag:$0x1] =	stream.indirect.gather [hbm4b:s3+s8], $0x40, s2, s8, $0xb8;
	[tilespmem:$0xEC00] =	vst v63  }
0x11: {  	s18 =	simm.s32 $0x0  }
0x12: {  	[tilespmem:s11], [sflag:$0x1] =	stream.indirect.gather [hbm4b:s3+s8], $0x40, s10, s8, $0xb8;
	[tilespmem:$0xEC00] =	vst v63  }
.LBB2_2:
0x13: {  	s19 =	sshllo.u32 s18, $0x1  }
0x14: {  	s20 =	smul.u32 $0x340, s19;
	_ =	sdelay $0x1  }
0x15: {  	s20 =	sshra.s32 s20, $0x2  }
0x16: {  	[tilespmem:s12], [sflag:$0x2] =	stream.indirect.gather [hbm4b:s3+s8], $0x40, s20, s8, $0xb8;
	[tilespmem:$0xEC00] =	vst v63  }
0x17: {  	s20 =	sadd.s32 $0x68, s20  }
0x18: {  	[tilespmem:s13], [sflag:$0x2] =	stream.indirect.gather [hbm4b:s3+s8], $0x40, s20, s8, $0xb8;
	[tilespmem:$0xEC00] =	vst v63  }
0x19: {  	_ =	swait.ge [sflag:s14], $0x1900  }
0x1a: {  	[sflag:s14] =	ssyncset.done $0x0  }
0x1b: {  	[sflag:s14] =	ssyncadd.s32 $0xFFFFE700  }
0x1c: {  	_ =	swait.ge [sflag:s14], $0x1900  }
0x1d: {  	[sflag:s14] =	ssyncset.done $0x0  }
0x1e: {  	s20 =	simm.s32 $0x0;
	[sflag:s14] =	ssyncadd.s32 $0xFFFFE700  }
0x1f: {  	v0 =	vld [tilespmem:s20+$0x68C0]  }
0x20: {  	v1 =	vld [tilespmem:s20+$0x68D0]  }
0x21: {  	v2 =	vld [tilespmem:s20+$0x6880]  }
0x22: {  	v3 =	vld [tilespmem:s20+$0x6890]  }
0x23: {  	v4 =	vld [tilespmem:s20+$0x6840]  }
0x24: {  	v5 =	vld [tilespmem:s20+$0x6850]  }
0x25: {  	v10 =	vld [tilespmem:s20+$0x6800]  }
0x26: {  	v7 =	vimm.f32 $0.0e+00;
	v12 =	vld [tilespmem:s20+$0x6810]  }
0x27: {  	s21 =	simm.s32 $0x400;
	v9 =	vimm.f32 $0.0e+00;
	v8 =	vimm.f32 $0.0e+00;
	v6 =	vimm.f32 $0.0e+00;
	v11 =	vld [tilespmem:s20+$0x6820]  }
.LBB2_3:
0x28: {  	p0 =	sne.s32 s21, $0xC400;
	v13 =	vld [tilespmem:s20+$0x6830]  }
0x29: {  	v14 =	vld [tilespmem:s20+$0x6860]  }
0x2a: {  	v15 =	vld [tilespmem:s20+$0x6870]  }
0x2b: {  	v16 =	vld [tilespmem:s20+$0x68A0]  }
0x2c: {  	v7 =	vadd.f32 v10, v7;
	v9 =	vadd.f32 v12, v9;
	v10 =	vld [tilespmem:s20+$0x68B0]  }
0x2d: {  	v8 =	vadd.f32 v11, v8;
	v11 =	vld [tilespmem:s20+$0x68E0];
	v6 =	vadd.f32 v13, v6  }
0x2e: {  	v4 =	vadd.f32 v4, v7;
	v5 =	vadd.f32 v5, v9;
	v12 =	vld [tilespmem:s20+$0x68F0];
	s20 =	sshra.s32 s21, $0x2  }
0x2f: {  	v7 =	vadd.f32 v14, v8;
	v13 =	vld [tilespmem:s20+$0x68C0];
	v6 =	vadd.f32 v15, v6  }
0x30: {  	v4 =	vadd.f32 v2, v4;
	v5 =	vadd.f32 v3, v5;
	v14 =	vld [tilespmem:s20+$0x68D0]  }
0x31: {  	v8 =	vadd.f32 v16, v7;
	v2 =	vld [tilespmem:s20+$0x6880];
	v6 =	vadd.f32 v10, v6  }
0x32: {  	v7 =	vadd.f32 v0, v4;
	v9 =	vadd.f32 v1, v5;
	v3 =	vld [tilespmem:s20+$0x6890]  }
.Ltmp0:
0x33: {  	v8 =	vadd.f32 v11, v8;
	v4 =	vld [tilespmem:s20+$0x6840];
	v6 =	vadd.f32 v12, v6;
	(pc) =	sbr.rel @p0 .LBB2_3-.Ltmp0, $4  }
0x34: {  	v5 =	vld [tilespmem:s20+$0x6850];
	v0 =	vmov v13  }
0x35: {  	v10 =	vld [tilespmem:s20+$0x6800];
	v1 =	vmov v14  }
0x36: {  	v12 =	vld [tilespmem:s20+$0x6810]  }
0x37: {  	s21 =	sadd.s32 $0x400, s21;
	v11 =	vld [tilespmem:s20+$0x6820]  }
0x38: {  	v13 =	vld [tilespmem:s20+$0x6830]  }
0x39: {  	v14 =	vld [tilespmem:s20+$0x6860]  }
0x3a: {  	v15 =	vld [tilespmem:s20+$0x6870];
	v7 =	vadd.f32 v10, v7  }
0x3b: {  	v10 =	vld [tilespmem:s20+$0x68A0];
	v9 =	vadd.f32 v12, v9  }
0x3c: {  	v12 =	vld [tilespmem:s20+$0x68B0];
	v8 =	vadd.f32 v11, v8;
	v4 =	vadd.f32 v4, v7  }
0x3d: {  	v7 =	vld [tilespmem:s20+$0x68E0];
	v6 =	vadd.f32 v13, v6;
	v5 =	vadd.f32 v5, v9  }
0x3e: {  	v9 =	vld [tilespmem:s20+$0x68F0];
	v8 =	vadd.f32 v14, v8;
	v2 =	vadd.f32 v2, v4  }
0x3f: {  	v4 =	vadd.f32 v15, v6;
	v3 =	vadd.f32 v3, v5  }
0x40: {  	s31 =	sshll.u32 s18, $0x7;
	v5 =	vadd.f32 v10, v8;
	v0 =	vadd.f32 v0, v2  }
0x41: {  	p0 =	seq.s32 s18, $0x3F;
	s20 =	sand.u32 $0x3FFFFF80, s31;
	v2 =	vadd.f32 v12, v4;
	v1 =	vadd.f32 v1, v3  }
0x42: {  	s21 =	smul.u32 @!p0 $0x680, s18;
	v3 =	vadd.f32 v7, v5;
	[tilespmem:s20+$0xCC00] =	vst v0  }
0x43: {  	v0 =	vadd.f32 v9, v2;
	[tilespmem:s20+$0xCC10] =	vst v1  }
0x44: {  	s21 =	sshra.s32 @!p0 s21, $0x2;
	[tilespmem:s20+$0xCC20] =	vst v3  }
0x45: {  	s22 =	simm.s32 @!p0 $0x64;
	s23 =	simm.s32 @!p0 $0x6800;
	[tilespmem:s20+$0xCC30] =	vst v0;
	s20 =	sadd.s32 @!p0 $0x1A0, s21  }
0x46: {  	[tilespmem:s23], [sflag:$0x1] =	stream.indirect.gather @!p0 [hbm4b:s3+s22], $0x40, s20, s22, $0xb8;
	[tilespmem:$0xEC00] =	vst v63  }
0x47: {  	s20 =	sadd.s32 @!p0 $0x208, s21;
	s21 =	simm.s32 @!p0 $0x8100  }
0x48: {  	[tilespmem:s21], [sflag:$0x1] =	stream.indirect.gather @!p0 [hbm4b:s3+s22], $0x40, s20, s22, $0xb8;
	[tilespmem:$0xEC00] =	vst v63  }
0x49: {  	_ =	swait.ge [sflag:s15], $0x1900  }
0x4a: {  	[sflag:s15] =	ssyncset.done $0x0  }
0x4b: {  	[sflag:s15] =	ssyncadd.s32 $0xFFFFE700  }
0x4c: {  	_ =	swait.ge [sflag:s15], $0x1900  }
0x4d: {  	[sflag:s15] =	ssyncset.done $0x0  }
0x4e: {  	s20 =	simm.s32 $0x0;
	[sflag:s15] =	ssyncadd.s32 $0xFFFFE700  }
0x4f: {  	v0 =	vld [tilespmem:s20+$0x9AC0]  }
0x50: {  	v1 =	vld [tilespmem:s20+$0x9AD0]  }
0x51: {  	v2 =	vld [tilespmem:s20+$0x9A80]  }
0x52: {  	v3 =	vld [tilespmem:s20+$0x9A90]  }
0x53: {  	v4 =	vld [tilespmem:s20+$0x9A40]  }
0x54: {  	v5 =	vld [tilespmem:s20+$0x9A50]  }
0x55: {  	v10 =	vld [tilespmem:s20+$0x9A00]  }
0x56: {  	v6 =	vimm.f32 $0.0e+00;
	v12 =	vld [tilespmem:s20+$0x9A10]  }
0x57: {  	v8 =	vimm.f32 $0.0e+00;
	v7 =	vimm.f32 $0.0e+00;
	v9 =	vimm.f32 $0.0e+00;
	s21 =	simm.s32 $0x400;
	v11 =	vld [tilespmem:s20+$0x9A20]  }
.LBB2_5:
0x58: {  	p0 =	sne.s32 s21, $0xC400;
	v13 =	vld [tilespmem:s20+$0x9A30]  }
0x59: {  	v14 =	vld [tilespmem:s20+$0x9A60]  }
0x5a: {  	v15 =	vld [tilespmem:s20+$0x9A70]  }
0x5b: {  	v16 =	vld [tilespmem:s20+$0x9AA0]  }
0x5c: {  	v7 =	vadd.f32 v10, v7;
	v9 =	vadd.f32 v12, v9;
	v10 =	vld [tilespmem:s20+$0x9AB0]  }
0x5d: {  	v8 =	vadd.f32 v11, v8;
	v11 =	vld [tilespmem:s20+$0x9AE0];
	v6 =	vadd.f32 v13, v6  }
0x5e: {  	v4 =	vadd.f32 v4, v7;
	v5 =	vadd.f32 v5, v9;
	v12 =	vld [tilespmem:s20+$0x9AF0];
	s20 =	sshra.s32 s21, $0x2  }
0x5f: {  	v7 =	vadd.f32 v14, v8;
	v13 =	vld [tilespmem:s20+$0x9AC0];
	v6 =	vadd.f32 v15, v6  }
0x60: {  	v4 =	vadd.f32 v2, v4;
	v5 =	vadd.f32 v3, v5;
	v14 =	vld [tilespmem:s20+$0x9AD0]  }
0x61: {  	v8 =	vadd.f32 v16, v7;
	v2 =	vld [tilespmem:s20+$0x9A80];
	v6 =	vadd.f32 v10, v6  }
0x62: {  	v7 =	vadd.f32 v0, v4;
	v9 =	vadd.f32 v1, v5;
	v3 =	vld [tilespmem:s20+$0x9A90]  }
.Ltmp1:
0x63: {  	v8 =	vadd.f32 v11, v8;
	v4 =	vld [tilespmem:s20+$0x9A40];
	v6 =	vadd.f32 v12, v6;
	(pc) =	sbr.rel @p0 .LBB2_5-.Ltmp1, $4  }
0x64: {  	v5 =	vld [tilespmem:s20+$0x9A50];
	v0 =	vmov v13  }
0x65: {  	v10 =	vld [tilespmem:s20+$0x9A00];
	v1 =	vmov v14  }
0x66: {  	v12 =	vld [tilespmem:s20+$0x9A10]  }
0x67: {  	s21 =	sadd.s32 $0x400, s21;
	v11 =	vld [tilespmem:s20+$0x9A20]  }
0x68: {  	v13 =	vld [tilespmem:s20+$0x9A30]  }
0x69: {  	v14 =	vld [tilespmem:s20+$0x9A60]  }
0x6a: {  	v15 =	vld [tilespmem:s20+$0x9A70];
	v7 =	vadd.f32 v10, v7  }
0x6b: {  	v55 =	vld [tilespmem:s20+$0x9AA0];
	v9 =	vadd.f32 v12, v9  }
0x6c: {  	v56 =	vld [tilespmem:s20+$0x9AB0];
	v8 =	vadd.f32 v11, v8;
	v4 =	vadd.f32 v4, v7  }
0x6d: {  	v57 =	vld [tilespmem:s20+$0x9AE0];
	v6 =	vadd.f32 v13, v6;
	v5 =	vadd.f32 v5, v9  }
0x6e: {  	v58 =	vld [tilespmem:s20+$0x9AF0];
	v8 =	vadd.f32 v14, v8;
	v2 =	vadd.f32 v2, v4  }
0x6f: {  	s18 =	sadd.s32 $0x1, s18;
	v59 =	vadd.f32 v15, v6;
	v3 =	vadd.f32 v3, v5  }
0x70: {  	s19 =	sshll.u32 s19, $0x6;
	p0 =	sne.s32 s18, $0x40;
	v60 =	vadd.f32 v55, v8;
	v0 =	vadd.f32 v0, v2  }
.Ltmp2:
0x71: {  	s19 =	sand.u32 $0x3FFFFFC0, s19;
	v61 =	vadd.f32 v56, v59;
	v1 =	vadd.f32 v1, v3;
	(pc) =	sbr.rel @p0 .LBB2_2-.Ltmp2, $4  }
0x72: {  	v62 =	vadd.f32 v57, v60;
	[tilespmem:s19+$0xCC00] =	vst v0  }
0x73: {  	v63 =	vadd.f32 v58, v61;
	[tilespmem:s19+$0xCC10] =	vst v1  }
0x74: {  	[tilespmem:s19+$0xCC20] =	vst v62  }
0x75: {  	[tilespmem:s19+$0xCC30] =	vst v63  }
0x76: {  	s17 =	sadd.s32 $0x1, s17  }
0x77: {  	p0 =	sne.s32 s17, s6  }
.Ltmp3:
0x78: {  	_ = 	snop;
	(pc) =	sbr.rel @p0 .LBB2_1-.Ltmp3, $4  }
0x79: {  	[hbm4b:s5+s2] =	stream.linear.scatter [tilespmem:s16], [sflag:$0x3], $0x2000, $0x38;
	[tilespmem:$0xEC00] =	vst v63  }
0x7a: {  	_ =	swait.ge [sflag:s7], $0x2000  }
0x7b: {  	[sflag:s7] =	ssyncset.done $0x0  }
0x7c: {  	[sflag:s7] =	ssyncadd.s32 $0xFFFFE000  }
0x7d: {  	_ =	sfence.sel $0x180000  }
0x7e: {  	[bflag:$0x0] =	sbarrier.arrive $0xFFFF  }
0x7f: {  	p0 =	sne.s32 s0, $0x0;
	_ =	strace $0x90000047  }
0x80: {  	s0 =	sadd.s32 @!p0 $0x100000, s1;
	[bflag:$0x2] =	sbarrier.arrive $0xFFFF  }
0x81: {  	[sflag:s0] =	ssyncadd.tile.s32 @!p0 $0x1;
	_ =	shalt  }
.Lfunc_end2:
_tile_overlayer_lowered:
.L_overlay_start_2:
0x82: {  	(tag) =	ssettag $0x2  }
0x83: {  	s0 =	rddreg [dreg:$0x0];
	s2 =	stileid.u32  }
0x84: {  	s1 =	rddreg [dreg:$0x1];
	p0 =	sne.s32 s2, $0x0  }
0x85: {  	s3 =	rddreg [dreg:$0x2];
	[bflag:$0x3] =	sbarrier.arrive $0xFFFF;
	s2 =	simm.s32 @!p0 $0x1C03  }
0x86: {  	[timem:s3], [sflag:s2] =	dma.local @!p0 [hbm:s0], s1  }
0x87: {  	s0 =	simm.s32 @!p0 $0x3  }
0x88: {  	_ =	swait.ge @!p0 [sflag:s0], s1  }
0x89: {  	s1 =	ssub.s32 @!p0 $0x0, s1;
	[sflag:s0] =	ssyncset.done @!p0 $0x0  }
0x8a: {  	[sflag:s0] =	ssyncadd.s32 @!p0 s1  }
0x8b: {  	[bflag:$0x3] =	sbarrier.arrive $0xFFFF  }
0x8c: {  	_ =	shalt  }

</sc_bundles>
